<compile_context>
chip_gen: v7x
topology: tpu7x:2x2x1
jax: 0.10.2.dev20260603
libtpu: 0.0.44.dev20260713+nightly
codegen_flags: <defaults>
</compile_context>

<pallas_src>
import functools

import numpy as np
import jax
import jax.numpy as jnp
from jax import lax
from jax.experimental import pallas as pl
from jax.experimental.pallas import tpu as pltpu
from jax.experimental.pallas import tpu_sc as plsc

_B = 1024
_N = 262144
_NODE_DIM = 20
_X_DIM = 3


def _schedule_consts():
    start = jnp.arccos(jnp.float32(0.95))
    end = jnp.arccos(jnp.float32(0.02))
    angles = start + jnp.float32(1.0) * (end - start)
    alpha = jnp.cos(angles)
    sigma = jnp.sin(angles)
    L = jnp.log(jnp.float32(1.0) / sigma)
    s2 = sigma * sigma
    half = jnp.float32(0.5)
    ch20 = jnp.float32(20.0) * (L - half * (jnp.float32(1.0) - s2))
    ha2 = half * (alpha * alpha)
    return L, s2, ch20, ha2

_GRID1 = 4
_BNL = _N // _GRID1


def _tc_sq_body(h_ref, x_ref, o_ref):
    hv = h_ref[...]
    xv = x_ref[...]
    o_ref[...] = jnp.sum(hv * hv, axis=0) + jnp.sum(xv * xv, axis=0)


def _tc_sq(h, x):
    return pl.pallas_call(
        _tc_sq_body,
        grid=(_GRID1,),
        in_specs=[
            pl.BlockSpec((_NODE_DIM, _BNL), lambda i: (0, i)),
            pl.BlockSpec((_X_DIM, _BNL), lambda i: (0, i)),
        ],
        out_specs=pl.BlockSpec((_BNL,), lambda i: (i,)),
        out_shape=jax.ShapeDtypeStruct((_N,), jnp.float32),
    )(h.T, x.T)


_NW = 32
_CHUNK = _N // _NW
_NVEC = _CHUNK // 16


@functools.cache
def _get_sc_segsum():
    mesh = plsc.VectorSubcoreMesh(core_axis_name="c", subcore_axis_name="s")

    @functools.partial(
        pl.kernel,
        mesh=mesh,
        out_type=[
            jax.ShapeDtypeStruct((_NW, _B), jnp.float32),
            jax.ShapeDtypeStruct((_NW, _B), jnp.float32),
        ],
        scratch_types=[
            pltpu.VMEM((_CHUNK,), jnp.float32),
            pltpu.VMEM((_CHUNK,), jnp.int32),
            pltpu.VMEM((16 * _B,), jnp.float32),
            pltpu.VMEM((16 * _B,), jnp.float32),
            pltpu.VMEM((_B,), jnp.float32),
            pltpu.VMEM((_B,), jnp.float32),
        ],
        compiler_params=pltpu.CompilerParams(needs_layout_passes=False),
    )
    def _sc_segsum(sq_hbm, idx_hbm, psum_hbm, pcnt_hbm,
                   sq_v, idx_v, acc_s, acc_c, red_s, red_c):
        wid = lax.axis_index("s") * 2 + lax.axis_index("c")
        base = wid * _CHUNK
        pltpu.sync_copy(sq_hbm.at[pl.ds(base, _CHUNK)], sq_v)
        pltpu.sync_copy(idx_hbm.at[pl.ds(base, _CHUNK)], idx_v)

        zero = jnp.zeros((16,), jnp.float32)
        ones = jnp.ones((16,), jnp.float32)
        lane_off = lax.iota(jnp.int32, 16) * _B

        lo = lax.reduce_min(idx_v[pl.ds(0, 16)], axes=(0,))
        hi = lax.reduce_max(idx_v[pl.ds(_CHUNK - 16, 16)], axes=(0,))
        c0 = lo // 16
        c1 = hi // 16 + 1

        @plsc.parallel_loop(c0, c1, 1, unroll=2)
        def _zero_body(c):
            for r in range(16):
                acc_s[pl.ds(r * _B + c * 16, 16)] = zero
                acc_c[pl.ds(r * _B + c * 16, 16)] = zero

        @plsc.parallel_loop(0, _B // 16, 1, unroll=8)
        def _zero_red_body(c):
            red_s[pl.ds(c * 16, 16)] = zero
            red_c[pl.ds(c * 16, 16)] = zero

        @plsc.parallel_loop(0, _NVEC, 1, unroll=8)
        def _acc_body(i):
            sv = sq_v[pl.ds(i * 16, 16)]
            iv = idx_v[pl.ds(i * 16, 16)] + lane_off
            plsc.addupdate_scatter(acc_s, [iv], sv)
            plsc.addupdate_scatter(acc_c, [iv], ones)

        @plsc.parallel_loop(c0, c1, 1, unroll=2)
        def _red_body(c):
            s = zero
            n = zero
            for r in range(16):
                s = s + acc_s[pl.ds(r * _B + c * 16, 16)]
                n = n + acc_c[pl.ds(r * _B + c * 16, 16)]
            red_s[pl.ds(c * 16, 16)] = s
            red_c[pl.ds(c * 16, 16)] = n

        pltpu.sync_copy(red_s, psum_hbm.at[wid])
        pltpu.sync_copy(red_c, pcnt_hbm.at[wid])

    return _sc_segsum


def _tc_combine_body(ps_ref, pc_ref, k_ref, o_ref):
    s = jnp.sum(ps_ref[...], axis=0, keepdims=True)
    c = jnp.sum(pc_ref[...], axis=0, keepdims=True)
    l_ = k_ref[0, 0]
    s2 = k_ref[0, 1]
    ch20 = k_ref[0, 2]
    ha2 = k_ref[0, 3]
    half = jnp.float32(0.5)
    d = jnp.float32(3.0) * (c - jnp.float32(1.0))
    ds2 = d * s2
    cterm = d * l_ + half * (ds2 - d)
    o_ref[...] = ch20 * c + cterm * c + ha2 * s


def _tc_combine(psum, pcnt, consts):
    return pl.pallas_call(
        _tc_combine_body,
        out_shape=jax.ShapeDtypeStruct((1, _B), jnp.float32),
    )(psum, pcnt, consts)


def kernel(h, x, graph_indices):
    l_, s2, ch20, ha2 = _schedule_consts()
    consts = jnp.stack([l_, s2, ch20, ha2]).reshape(1, 4)
    sq = _tc_sq(h, x)
    psum, pcnt = _get_sc_segsum()(sq, graph_indices)
    return _tc_combine(psum, pcnt, consts).reshape(_B)

# --- scband reference (transcript-rebuilt; emitter-appended) ---
"""Pipeline reference for scband-variational-gaussian-diffusion-11922829214312 (READ-ONLY COPY).

The authoritative reference and input builder live on the scoring server;
editing this copy changes nothing except your own understanding.
"""

import jax, jax.numpy as jnp
import numpy as np

B = 1024
N = 262144
NODE_DIM = 20
X_DIM = 3
MIN_SIGNAL_RATE = 0.02
MAX_SIGNAL_RATE = 0.95


def gaussian_kl(mu_q, sigma_q, mu_p, sigma_p):
    # KL(N(mu_q, sigma_q^2) || N(mu_p, sigma_p^2)) summed over feature dim
    sigma_q = jnp.broadcast_to(sigma_q, mu_q.shape)
    sigma_p = jnp.broadcast_to(sigma_p, mu_q.shape)
    mu_p = jnp.broadcast_to(mu_p, mu_q.shape)
    kl = jnp.log(sigma_p / sigma_q) + 0.5 * (sigma_q ** 2 + (mu_q - mu_p) ** 2) / (sigma_p ** 2) - 0.5
    return jnp.sum(kl, axis=-1)


def gaussian_kl_subspace(mu_q, sigma_q, mu_p, sigma_p, d_sub):
    # KL over a d_sub-dimensional subspace (translation-invariant x subspace)
    d = jnp.squeeze(d_sub, axis=-1)
    sq = jnp.squeeze(sigma_q, axis=-1)
    sp = jnp.squeeze(sigma_p, axis=-1)
    mu_p = jnp.broadcast_to(mu_p, mu_q.shape)
    sq_norm = jnp.sum((mu_q - mu_p) ** 2, axis=-1)
    return d * jnp.log(sp / sq) + 0.5 * (d * sq ** 2 + sq_norm) / (sp ** 2) - 0.5 * d


def diffusion_schedule(t):
    start_angle = jnp.arccos(jnp.float32(MAX_SIGNAL_RATE))
    end_angle = jnp.arccos(jnp.float32(MIN_SIGNAL_RATE))
    angles = start_angle + t * (end_angle - start_angle)
    signal_rates = jnp.cos(angles)
    noise_rates = jnp.sin(angles)
    return signal_rates, noise_rates


def setup_inputs(seed: int = 0):
    key = jax.random.key(seed)
    k1, k2, k3 = jax.random.split(key, 3)
    h = jax.random.normal(k1, (N, NODE_DIM), dtype=jnp.float32)
    x = jax.random.normal(k2, (N, X_DIM), dtype=jnp.float32)
    graph_indices = jnp.sort(jax.random.randint(k3, (N,), 0, B, dtype=jnp.int32))
    return {"h": h, "x": x, "graph_indices": graph_indices}


def reference(h, x, graph_indices):
    # kl_prior of VariationalGaussianDiffusion with builtin schedule at t=1
    ones_t = jnp.ones((h.shape[0], 1), dtype=jnp.float32)
    alpha_1, sigma_1 = diffusion_schedule(ones_t)  # [N,1] each

    mu_1_h = alpha_1 * h
    mu_1_x = alpha_1 * x

    zeros_h = jnp.zeros_like(mu_1_h)
    ones_s = jnp.ones_like(sigma_1)
    kl_h = gaussian_kl(mu_1_h, sigma_1, zeros_h, ones_s)  # [N]
    kl_h = jax.ops.segment_sum(kl_h, graph_indices, num_segments=B)  # [B]

    num_nodes = jnp.bincount(graph_indices, length=B).astype(jnp.float32)[:, None]  # [B,1]
    d_sub = (num_nodes - 1.0) * X_DIM  # [B,1]
    d_sub = jnp.take(d_sub, graph_indices, axis=0)  # [N,1]

    zeros_x = jnp.zeros_like(mu_1_x)
    kl_x = gaussian_kl_subspace(mu_1_x, sigma_1, zeros_x, ones_s, d_sub)  # [N]
    kl_x = jax.ops.segment_sum(kl_x, graph_indices, num_segments=B)  # [B]

    return kl_h + kl_x

if __name__ == "__main__":
    import jax
    _d = setup_inputs()
    print(jax.jit(kernel)(*tuple(_d.values())))

</pallas_src>

<mosaic_0001>
#map = affine_map<(d0, d1) -> (0)>
#map1 = affine_map<(d0, d1) -> (0, 0)>
module attributes {stable_mosaic.version = 14 : i64} {
  func.func @_sc_segsum(%arg0: i32, %arg1: i32, %arg2: memref<262144xf32, #tpu.memory_space<hbm>>, %arg3: memref<262144xi32, #tpu.memory_space<hbm>>, %arg4: memref<32x1024xf32, #tpu.memory_space<hbm>>, %arg5: memref<32x1024xf32, #tpu.memory_space<hbm>>, %arg6: memref<8192xf32, #tpu.memory_space<vmem>>, %arg7: memref<8192xi32, #tpu.memory_space<vmem>>, %arg8: memref<16384xf32, #tpu.memory_space<vmem>>, %arg9: memref<16384xf32, #tpu.memory_space<vmem>>, %arg10: memref<1024xf32, #tpu.memory_space<vmem>>, %arg11: memref<1024xf32, #tpu.memory_space<vmem>>) attributes {dimension_semantics = [#tpu.dimension_semantics<core_parallel>, #tpu.dimension_semantics<subcore_parallel>], iteration_bounds = array<i64: 2, 16>, scalar_prefetch = 0 : i64, scratch_operands = 6 : i64, tpu.core_type = #tpu.core_type<sc_vector_subcore>, window_params = [{transform_indices = #map}, {transform_indices = #map}, {transform_indices = #map1}, {transform_indices = #map1}]} {
    %mul3A = arith.constant 2 : i32
    %mul3A_0 = arith.muli %arg1, %mul3A : i32
    %add3A = arith.addi %mul3A_0, %arg0 : i32
    %mul3A_1 = arith.constant 8192 : i32
    %mul3A_2 = arith.muli %add3A, %mul3A_1 : i32
    "tpu.region"() ({
      %run_scoped3A = tpu.sem_alloc : memref<!tpu.dma_semaphore, #tpu.memory_space<semaphore_mem>>
      %dma_start3A = tpu.memref_slice %arg2[%mul3A_2] : memref<262144xf32, #tpu.memory_space<hbm>> -> memref<8192xf32, #tpu.memory_space<hbm>>
      %dma_start3A_75 = tpu.memref_slice %arg2[%mul3A_2] : memref<262144xf32, #tpu.memory_space<hbm>> -> memref<8192xf32, #tpu.memory_space<hbm>>
      tpu.enqueue_dma source(%dma_start3A_75 : memref<8192xf32, #tpu.memory_space<hbm>>) target(%arg6 : memref<8192xf32, #tpu.memory_space<vmem>>) target_semaphore(%run_scoped3A : memref<!tpu.dma_semaphore, #tpu.memory_space<semaphore_mem>>)
      %dma_wait3A = tpu.memref_slice %arg2[%mul3A_2] : memref<262144xf32, #tpu.memory_space<hbm>> -> memref<8192xf32, #tpu.memory_space<hbm>>
      %dma_wait3A_76 = tpu.memref_slice %arg2[%mul3A_2] : memref<262144xf32, #tpu.memory_space<hbm>> -> memref<8192xf32, #tpu.memory_space<hbm>>
      tpu.wait_dma2 semaphore(%run_scoped3A : memref<!tpu.dma_semaphore, #tpu.memory_space<semaphore_mem>>) src(%dma_wait3A_76 : memref<8192xf32, #tpu.memory_space<hbm>>) dst(%arg6 : memref<8192xf32, #tpu.memory_space<vmem>>)
      tpu.yield
    }) : () -> ()
    "tpu.region"() ({
      %run_scoped3A = tpu.sem_alloc : memref<!tpu.dma_semaphore, #tpu.memory_space<semaphore_mem>>
      %dma_start3A = tpu.memref_slice %arg3[%mul3A_2] : memref<262144xi32, #tpu.memory_space<hbm>> -> memref<8192xi32, #tpu.memory_space<hbm>>
      %dma_start3A_75 = tpu.memref_slice %arg3[%mul3A_2] : memref<262144xi32, #tpu.memory_space<hbm>> -> memref<8192xi32, #tpu.memory_space<hbm>>
      tpu.enqueue_dma source(%dma_start3A_75 : memref<8192xi32, #tpu.memory_space<hbm>>) target(%arg7 : memref<8192xi32, #tpu.memory_space<vmem>>) target_semaphore(%run_scoped3A : memref<!tpu.dma_semaphore, #tpu.memory_space<semaphore_mem>>)
      %dma_wait3A = tpu.memref_slice %arg3[%mul3A_2] : memref<262144xi32, #tpu.memory_space<hbm>> -> memref<8192xi32, #tpu.memory_space<hbm>>
      %dma_wait3A_76 = tpu.memref_slice %arg3[%mul3A_2] : memref<262144xi32, #tpu.memory_space<hbm>> -> memref<8192xi32, #tpu.memory_space<hbm>>
      tpu.wait_dma2 semaphore(%run_scoped3A : memref<!tpu.dma_semaphore, #tpu.memory_space<semaphore_mem>>) src(%dma_wait3A_76 : memref<8192xi32, #tpu.memory_space<hbm>>) dst(%arg7 : memref<8192xi32, #tpu.memory_space<vmem>>)
      tpu.yield
    }) : () -> ()
    %broadcast_in_dim3A = arith.constant 0.000000e+00 : f32
    %broadcast_in_dim3A_3 = vector.broadcast %broadcast_in_dim3A : f32 to vector<16xf32>
    %broadcast_in_dim3A_4 = arith.constant 1.000000e+00 : f32
    %broadcast_in_dim3A_5 = vector.broadcast %broadcast_in_dim3A_4 : f32 to vector<16xf32>
    %iota3A = tpu.iota {dimensions = array<i32: 0>} : vector<16xi32>
    %mul3A_6 = arith.constant 1024 : i32
    %mul3A_7 = vector.broadcast %mul3A_6 : i32 to vector<16xi32>
    %mul3A_8 = arith.muli %iota3A, %mul3A_7 : vector<16xi32>
    %get3A = arith.constant 0 : index
    %get3A_9 = tpu.vector_load %arg7[%get3A] {strides = array<i32>} : memref<8192xi32, #tpu.memory_space<vmem>>, vector<16xi32>,
    %reduce_min3A = arith.constant true
    %reduce_min3A_10 = vector.broadcast %reduce_min3A : i1 to vector<16xi1>
    %reduce_min3A_11 = arith.constant -2147483648 : i32
    %reduce_min3A_12 = vector.broadcast %reduce_min3A_11 : i32 to vector<16xi32>
    %reduce_min3A_13 = arith.xori %get3A_9, %reduce_min3A_12 : vector<16xi32>
    %reduce_min3A_14 = tpu.scan <min>, %reduce_min3A_13 masked %reduce_min3A_10 : vector<16xi32>, vector<16xi1> -> vector<16xi32>
    %reduce_min3A_15 = arith.xori %reduce_min3A_14, %reduce_min3A_12 : vector<16xi32>
    %reduce_min3A_16 = vector.extract %reduce_min3A_15[15] : i32 from vector<16xi32>
    %get3A_17 = arith.constant 8176 : index
    %get3A_18 = tpu.vector_load %arg7[%get3A_17] {strides = array<i32>} : memref<8192xi32, #tpu.memory_space<vmem>>, vector<16xi32>,
    %reduce_max3A = arith.constant true
    %reduce_max3A_19 = vector.broadcast %reduce_max3A : i1 to vector<16xi1>
    %reduce_max3A_20 = arith.constant -2147483648 : i32
    %reduce_max3A_21 = vector.broadcast %reduce_max3A_20 : i32 to vector<16xi32>
    %reduce_max3A_22 = arith.xori %get3A_18, %reduce_max3A_21 : vector<16xi32>
    %reduce_max3A_23 = tpu.scan <max>, %reduce_max3A_22 masked %reduce_max3A_19 : vector<16xi32>, vector<16xi1> -> vector<16xi32>
    %reduce_max3A_24 = arith.xori %reduce_max3A_23, %reduce_max3A_21 : vector<16xi32>
    %reduce_max3A_25 = vector.extract %reduce_max3A_24[15] : i32 from vector<16xi32>
    %jit3A = arith.constant 16 : i32
    %div3A = arith.divsi %reduce_min3A_16, %jit3A : i32
    %sign3A = arith.constant 0 : i32
    %sign3A_26 = arith.cmpi sgt, %reduce_min3A_16, %sign3A : i32
    %sign3A_27 = arith.extui %sign3A_26 : i1 to i32
    %sign3A_28 = arith.constant 0 : i32
    %sign3A_29 = arith.cmpi slt, %reduce_min3A_16, %sign3A_28 : i32
    %sign3A_30 = arith.extui %sign3A_29 : i1 to i32
    %sign3A_31 = arith.subi %sign3A_27, %sign3A_30 : i32
    %sign3A_32 = arith.constant 0 : i32
    %sign3A_33 = arith.cmpi sgt, %jit3A, %sign3A_32 : i32
    %sign3A_34 = arith.extui %sign3A_33 : i1 to i32
    %sign3A_35 = arith.constant 0 : i32
    %sign3A_36 = arith.cmpi slt, %jit3A, %sign3A_35 : i32
    %sign3A_37 = arith.extui %sign3A_36 : i1 to i32
    %sign3A_38 = arith.subi %sign3A_34, %sign3A_37 : i32
    %ne3A = arith.cmpi ne, %sign3A_31, %sign3A_38 : i32
    %rem3A = arith.remsi %reduce_min3A_16, %jit3A : i32
    %ne3A_39 = arith.constant 0 : i32
    %ne3A_40 = arith.cmpi ne, %rem3A, %ne3A_39 : i32
    %and3A = arith.andi %ne3A, %ne3A_40 : i1
    %sub3A = arith.constant 1 : i32
    %sub3A_41 = arith.subi %div3A, %sub3A : i32
    %select_n3A = arith.select %and3A, %sub3A_41, %div3A : i32
    %jit3A_42 = arith.constant 16 : i32
    %div3A_43 = arith.divsi %reduce_max3A_25, %jit3A_42 : i32
    %sign3A_44 = arith.constant 0 : i32
    %sign3A_45 = arith.cmpi sgt, %reduce_max3A_25, %sign3A_44 : i32
    %sign3A_46 = arith.extui %sign3A_45 : i1 to i32
    %sign3A_47 = arith.constant 0 : i32
    %sign3A_48 = arith.cmpi slt, %reduce_max3A_25, %sign3A_47 : i32
    %sign3A_49 = arith.extui %sign3A_48 : i1 to i32
    %sign3A_50 = arith.subi %sign3A_46, %sign3A_49 : i32
    %sign3A_51 = arith.constant 0 : i32
    %sign3A_52 = arith.cmpi sgt, %jit3A_42, %sign3A_51 : i32
    %sign3A_53 = arith.extui %sign3A_52 : i1 to i32
    %sign3A_54 = arith.constant 0 : i32
    %sign3A_55 = arith.cmpi slt, %jit3A_42, %sign3A_54 : i32
    %sign3A_56 = arith.extui %sign3A_55 : i1 to i32
    %sign3A_57 = arith.subi %sign3A_53, %sign3A_56 : i32
    %ne3A_58 = arith.cmpi ne, %sign3A_50, %sign3A_57 : i32
    %rem3A_59 = arith.remsi %reduce_max3A_25, %jit3A_42 : i32
    %ne3A_60 = arith.constant 0 : i32
    %ne3A_61 = arith.cmpi ne, %rem3A_59, %ne3A_60 : i32
    %and3A_62 = arith.andi %ne3A_58, %ne3A_61 : i1
    %sub3A_63 = arith.constant 1 : i32
    %sub3A_64 = arith.subi %div3A_43, %sub3A_63 : i32
    %select_n3A_65 = arith.select %and3A_62, %sub3A_64, %div3A_43 : i32
    %add3A_66 = arith.constant 1 : i32
    %add3A_67 = arith.addi %select_n3A_65, %add3A_66 : i32
    %parallel_loop3A = arith.constant 1 : i32
    scf.for %parallel_loop3A_75 = %select_n3A to %add3A_67 step %parallel_loop3A  : i32 {
      %parallel_loop3A_76 = arith.constant 16 : i32
      %parallel_loop3A_77 = arith.muli %parallel_loop3A_75, %parallel_loop3A_76 : i32
      %parallel_loop3A_78 = arith.constant 0 : i32
      %parallel_loop3A_79 = arith.addi %parallel_loop3A_78, %parallel_loop3A_77 : i32
      %parallel_loop3A_80 = arith.index_cast %parallel_loop3A_79 : i32 to index
      %parallel_loop3A_81 = tpu.vector_load %arg8[%parallel_loop3A_80] {strides = array<i32>} : memref<16384xf32, #tpu.memory_space<vmem>>, vector<16xf32>,
      tpu.vector_store %arg8[%parallel_loop3A_80], %broadcast_in_dim3A_3 {strides = array<i32>} : memref<16384xf32, #tpu.memory_space<vmem>>, vector<16xf32>,
      %parallel_loop3A_82 = arith.constant 16 : i32
      %parallel_loop3A_83 = arith.muli %parallel_loop3A_75, %parallel_loop3A_82 : i32
      %parallel_loop3A_84 = arith.constant 0 : i32
      %parallel_loop3A_85 = arith.addi %parallel_loop3A_84, %parallel_loop3A_83 : i32
      %parallel_loop3A_86 = arith.index_cast %parallel_loop3A_85 : i32 to index
      %parallel_loop3A_87 = tpu.vector_load %arg9[%parallel_loop3A_86] {strides = array<i32>} : memref<16384xf32, #tpu.memory_space<vmem>>, vector<16xf32>,
      tpu.vector_store %arg9[%parallel_loop3A_86], %broadcast_in_dim3A_3 {strides = array<i32>} : memref<16384xf32, #tpu.memory_space<vmem>>, vector<16xf32>,
      %parallel_loop3A_88 = arith.constant 16 : i32
      %parallel_loop3A_89 = arith.muli %parallel_loop3A_75, %parallel_loop3A_88 : i32
      %parallel_loop3A_90 = arith.constant 1024 : i32
      %parallel_loop3A_91 = arith.addi %parallel_loop3A_90, %parallel_loop3A_89 : i32
      %parallel_loop3A_92 = arith.index_cast %parallel_loop3A_91 : i32 to index
      %parallel_loop3A_93 = tpu.vector_load %arg8[%parallel_loop3A_92] {strides = array<i32>} : memref<16384xf32, #tpu.memory_space<vmem>>, vector<16xf32>,
      tpu.vector_store %arg8[%parallel_loop3A_92], %broadcast_in_dim3A_3 {strides = array<i32>} : memref<16384xf32, #tpu.memory_space<vmem>>, vector<16xf32>,
      %parallel_loop3A_94 = arith.constant 16 : i32
      %parallel_loop3A_95 = arith.muli %parallel_loop3A_75, %parallel_loop3A_94 : i32
      %parallel_loop3A_96 = arith.constant 1024 : i32
      %parallel_loop3A_97 = arith.addi %parallel_loop3A_96, %parallel_loop3A_95 : i32
      %parallel_loop3A_98 = arith.index_cast %parallel_loop3A_97 : i32 to index
      %parallel_loop3A_99 = tpu.vector_load %arg9[%parallel_loop3A_98] {strides = array<i32>} : memref<16384xf32, #tpu.memory_space<vmem>>, vector<16xf32>,
      tpu.vector_store %arg9[%parallel_loop3A_98], %broadcast_in_dim3A_3 {strides = array<i32>} : memref<16384xf32, #tpu.memory_space<vmem>>, vector<16xf32>,
      %parallel_loop3A_100 = arith.constant 16 : i32
      %parallel_loop3A_101 = arith.muli %parallel_loop3A_75, %parallel_loop3A_100 : i32
      %parallel_loop3A_102 = arith.constant 2048 : i32
      %parallel_loop3A_103 = arith.addi %parallel_loop3A_102, %parallel_loop3A_101 : i32
      %parallel_loop3A_104 = arith.index_cast %parallel_loop3A_103 : i32 to index
      %parallel_loop3A_105 = tpu.vector_load %arg8[%parallel_loop3A_104] {strides = array<i32>} : memref<16384xf32, #tpu.memory_space<vmem>>, vector<16xf32>,
      tpu.vector_store %arg8[%parallel_loop3A_104], %broadcast_in_dim3A_3 {strides = array<i32>} : memref<16384xf32, #tpu.memory_space<vmem>>, vector<16xf32>,
      %parallel_loop3A_106 = arith.constant 16 : i32
      %parallel_loop3A_107 = arith.muli %parallel_loop3A_75, %parallel_loop3A_106 : i32
      %parallel_loop3A_108 = arith.constant 2048 : i32
      %parallel_loop3A_109 = arith.addi %parallel_loop3A_108, %parallel_loop3A_107 : i32
      %parallel_loop3A_110 = arith.index_cast %parallel_loop3A_109 : i32 to index
      %parallel_loop3A_111 = tpu.vector_load %arg9[%parallel_loop3A_110] {strides = array<i32>} : memref<16384xf32, #tpu.memory_space<vmem>>, vector<16xf32>,
      tpu.vector_store %arg9[%parallel_loop3A_110], %broadcast_in_dim3A_3 {strides = array<i32>} : memref<16384xf32, #tpu.memory_space<vmem>>, vector<16xf32>,
      %parallel_loop3A_112 = arith.constant 16 : i32
      %parallel_loop3A_113 = arith.muli %parallel_loop3A_75, %parallel_loop3A_112 : i32
      %parallel_loop3A_114 = arith.constant 3072 : i32
      %parallel_loop3A_115 = arith.addi %parallel_loop3A_114, %parallel_loop3A_113 : i32
      %parallel_loop3A_116 = arith.index_cast %parallel_loop3A_115 : i32 to index
      %parallel_loop3A_117 = tpu.vector_load %arg8[%parallel_loop3A_116] {strides = array<i32>} : memref<16384xf32, #tpu.memory_space<vmem>>, vector<16xf32>,
      tpu.vector_store %arg8[%parallel_loop3A_116], %broadcast_in_dim3A_3 {strides = array<i32>} : memref<16384xf32, #tpu.memory_space<vmem>>, vector<16xf32>,
      %parallel_loop3A_118 = arith.constant 16 : i32
      %parallel_loop3A_119 = arith.muli %parallel_loop3A_75, %parallel_loop3A_118 : i32
      %parallel_loop3A_120 = arith.constant 3072 : i32
      %parallel_loop3A_121 = arith.addi %parallel_loop3A_120, %parallel_loop3A_119 : i32
      %parallel_loop3A_122 = arith.index_cast %parallel_loop3A_121 : i32 to index
      %parallel_loop3A_123 = tpu.vector_load %arg9[%parallel_loop3A_122] {strides = array<i32>} : memref<16384xf32, #tpu.memory_space<vmem>>, vector<16xf32>,
      tpu.vector_store %arg9[%parallel_loop3A_122], %broadcast_in_dim3A_3 {strides = array<i32>} : memref<16384xf32, #tpu.memory_space<vmem>>, vector<16xf32>,
      %parallel_loop3A_124 = arith.constant 16 : i32
      %parallel_loop3A_125 = arith.muli %parallel_loop3A_75, %parallel_loop3A_124 : i32
      %parallel_loop3A_126 = arith.constant 4096 : i32
      %parallel_loop3A_127 = arith.addi %parallel_loop3A_126, %parallel_loop3A_125 : i32
      %parallel_loop3A_128 = arith.index_cast %parallel_loop3A_127 : i32 to index
      %parallel_loop3A_129 = tpu.vector_load %arg8[%parallel_loop3A_128] {strides = array<i32>} : memref<16384xf32, #tpu.memory_space<vmem>>, vector<16xf32>,
      tpu.vector_store %arg8[%parallel_loop3A_128], %broadcast_in_dim3A_3 {strides = array<i32>} : memref<16384xf32, #tpu.memory_space<vmem>>, vector<16xf32>,
      %parallel_loop3A_130 = arith.constant 16 : i32
      %parallel_loop3A_131 = arith.muli %parallel_loop3A_75, %parallel_loop3A_130 : i32
      %parallel_loop3A_132 = arith.constant 4096 : i32
      %parallel_loop3A_133 = arith.addi %parallel_loop3A_132, %parallel_loop3A_131 : i32
      %parallel_loop3A_134 = arith.index_cast %parallel_loop3A_133 : i32 to index
      %parallel_loop3A_135 = tpu.vector_load %arg9[%parallel_loop3A_134] {strides = array<i32>} : memref<16384xf32, #tpu.memory_space<vmem>>, vector<16xf32>,
      tpu.vector_store %arg9[%parallel_loop3A_134], %broadcast_in_dim3A_3 {strides = array<i32>} : memref<16384xf32, #tpu.memory_space<vmem>>, vector<16xf32>,
      %parallel_loop3A_136 = arith.constant 16 : i32
      %parallel_loop3A_137 = arith.muli %parallel_loop3A_75, %parallel_loop3A_136 : i32
      %parallel_loop3A_138 = arith.constant 5120 : i32
      %parallel_loop3A_139 = arith.addi %parallel_loop3A_138, %parallel_loop3A_137 : i32
      %parallel_loop3A_140 = arith.index_cast %parallel_loop3A_139 : i32 to index
      %parallel_loop3A_141 = tpu.vector_load %arg8[%parallel_loop3A_140] {strides = array<i32>} : memref<16384xf32, #tpu.memory_space<vmem>>, vector<16xf32>,
      tpu.vector_store %arg8[%parallel_loop3A_140], %broadcast_in_dim3A_3 {strides = array<i32>} : memref<16384xf32, #tpu.memory_space<vmem>>, vector<16xf32>,
      %parallel_loop3A_142 = arith.constant 16 : i32
      %parallel_loop3A_143 = arith.muli %parallel_loop3A_75, %parallel_loop3A_142 : i32
      %parallel_loop3A_144 = arith.constant 5120 : i32
      %parallel_loop3A_145 = arith.addi %parallel_loop3A_144, %parallel_loop3A_143 : i32
      %parallel_loop3A_146 = arith.index_cast %parallel_loop3A_145 : i32 to index
      %parallel_loop3A_147 = tpu.vector_load %arg9[%parallel_loop3A_146] {strides = array<i32>} : memref<16384xf32, #tpu.memory_space<vmem>>, vector<16xf32>,
      tpu.vector_store %arg9[%parallel_loop3A_146], %broadcast_in_dim3A_3 {strides = array<i32>} : memref<16384xf32, #tpu.memory_space<vmem>>, vector<16xf32>,
      %parallel_loop3A_148 = arith.constant 16 : i32
      %parallel_loop3A_149 = arith.muli %parallel_loop3A_75, %parallel_loop3A_148 : i32
      %parallel_loop3A_150 = arith.constant 6144 : i32
      %parallel_loop3A_151 = arith.addi %parallel_loop3A_150, %parallel_loop3A_149 : i32
      %parallel_loop3A_152 = arith.index_cast %parallel_loop3A_151 : i32 to index
      %parallel_loop3A_153 = tpu.vector_load %arg8[%parallel_loop3A_152] {strides = array<i32>} : memref<16384xf32, #tpu.memory_space<vmem>>, vector<16xf32>,
      tpu.vector_store %arg8[%parallel_loop3A_152], %broadcast_in_dim3A_3 {strides = array<i32>} : memref<16384xf32, #tpu.memory_space<vmem>>, vector<16xf32>,
      %parallel_loop3A_154 = arith.constant 16 : i32
      %parallel_loop3A_155 = arith.muli %parallel_loop3A_75, %parallel_loop3A_154 : i32
      %parallel_loop3A_156 = arith.constant 6144 : i32
      %parallel_loop3A_157 = arith.addi %parallel_loop3A_156, %parallel_loop3A_155 : i32
      %parallel_loop3A_158 = arith.index_cast %parallel_loop3A_157 : i32 to index
      %parallel_loop3A_159 = tpu.vector_load %arg9[%parallel_loop3A_158] {strides = array<i32>} : memref<16384xf32, #tpu.memory_space<vmem>>, vector<16xf32>,
      tpu.vector_store %arg9[%parallel_loop3A_158], %broadcast_in_dim3A_3 {strides = array<i32>} : memref<16384xf32, #tpu.memory_space<vmem>>, vector<16xf32>,
      %parallel_loop3A_160 = arith.constant 16 : i32
      %parallel_loop3A_161 = arith.muli %parallel_loop3A_75, %parallel_loop3A_160 : i32
      %parallel_loop3A_162 = arith.constant 7168 : i32
      %parallel_loop3A_163 = arith.addi %parallel_loop3A_162, %parallel_loop3A_161 : i32
      %parallel_loop3A_164 = arith.index_cast %parallel_loop3A_163 : i32 to index
      %parallel_loop3A_165 = tpu.vector_load %arg8[%parallel_loop3A_164] {strides = array<i32>} : memref<16384xf32, #tpu.memory_space<vmem>>, vector<16xf32>,
      tpu.vector_store %arg8[%parallel_loop3A_164], %broadcast_in_dim3A_3 {strides = array<i32>} : memref<16384xf32, #tpu.memory_space<vmem>>, vector<16xf32>,
      %parallel_loop3A_166 = arith.constant 16 : i32
      %parallel_loop3A_167 = arith.muli %parallel_loop3A_75, %parallel_loop3A_166 : i32
      %parallel_loop3A_168 = arith.constant 7168 : i32
      %parallel_loop3A_169 = arith.addi %parallel_loop3A_168, %parallel_loop3A_167 : i32
      %parallel_loop3A_170 = arith.index_cast %parallel_loop3A_169 : i32 to index
      %parallel_loop3A_171 = tpu.vector_load %arg9[%parallel_loop3A_170] {strides = array<i32>} : memref<16384xf32, #tpu.memory_space<vmem>>, vector<16xf32>,
      tpu.vector_store %arg9[%parallel_loop3A_170], %broadcast_in_dim3A_3 {strides = array<i32>} : memref<16384xf32, #tpu.memory_space<vmem>>, vector<16xf32>,
      %parallel_loop3A_172 = arith.constant 16 : i32
      %parallel_loop3A_173 = arith.muli %parallel_loop3A_75, %parallel_loop3A_172 : i32
      %parallel_loop3A_174 = arith.constant 8192 : i32
      %parallel_loop3A_175 = arith.addi %parallel_loop3A_174, %parallel_loop3A_173 : i32
      %parallel_loop3A_176 = arith.index_cast %parallel_loop3A_175 : i32 to index
      %parallel_loop3A_177 = tpu.vector_load %arg8[%parallel_loop3A_176] {strides = array<i32>} : memref<16384xf32, #tpu.memory_space<vmem>>, vector<16xf32>,
      tpu.vector_store %arg8[%parallel_loop3A_176], %broadcast_in_dim3A_3 {strides = array<i32>} : memref<16384xf32, #tpu.memory_space<vmem>>, vector<16xf32>,
      %parallel_loop3A_178 = arith.constant 16 : i32
      %parallel_loop3A_179 = arith.muli %parallel_loop3A_75, %parallel_loop3A_178 : i32
      %parallel_loop3A_180 = arith.constant 8192 : i32
      %parallel_loop3A_181 = arith.addi %parallel_loop3A_180, %parallel_loop3A_179 : i32
      %parallel_loop3A_182 = arith.index_cast %parallel_loop3A_181 : i32 to index
      %parallel_loop3A_183 = tpu.vector_load %arg9[%parallel_loop3A_182] {strides = array<i32>} : memref<16384xf32, #tpu.memory_space<vmem>>, vector<16xf32>,
      tpu.vector_store %arg9[%parallel_loop3A_182], %broadcast_in_dim3A_3 {strides = array<i32>} : memref<16384xf32, #tpu.memory_space<vmem>>, vector<16xf32>,
      %parallel_loop3A_184 = arith.constant 16 : i32
      %parallel_loop3A_185 = arith.muli %parallel_loop3A_75, %parallel_loop3A_184 : i32
      %parallel_loop3A_186 = arith.constant 9216 : i32
      %parallel_loop3A_187 = arith.addi %parallel_loop3A_186, %parallel_loop3A_185 : i32
      %parallel_loop3A_188 = arith.index_cast %parallel_loop3A_187 : i32 to index
      %parallel_loop3A_189 = tpu.vector_load %arg8[%parallel_loop3A_188] {strides = array<i32>} : memref<16384xf32, #tpu.memory_space<vmem>>, vector<16xf32>,
      tpu.vector_store %arg8[%parallel_loop3A_188], %broadcast_in_dim3A_3 {strides = array<i32>} : memref<16384xf32, #tpu.memory_space<vmem>>, vector<16xf32>,
      %parallel_loop3A_190 = arith.constant 16 : i32
      %parallel_loop3A_191 = arith.muli %parallel_loop3A_75, %parallel_loop3A_190 : i32
      %parallel_loop3A_192 = arith.constant 9216 : i32
      %parallel_loop3A_193 = arith.addi %parallel_loop3A_192, %parallel_loop3A_191 : i32
      %parallel_loop3A_194 = arith.index_cast %parallel_loop3A_193 : i32 to index
      %parallel_loop3A_195 = tpu.vector_load %arg9[%parallel_loop3A_194] {strides = array<i32>} : memref<16384xf32, #tpu.memory_space<vmem>>, vector<16xf32>,
      tpu.vector_store %arg9[%parallel_loop3A_194], %broadcast_in_dim3A_3 {strides = array<i32>} : memref<16384xf32, #tpu.memory_space<vmem>>, vector<16xf32>,
      %parallel_loop3A_196 = arith.constant 16 : i32
      %parallel_loop3A_197 = arith.muli %parallel_loop3A_75, %parallel_loop3A_196 : i32
      %parallel_loop3A_198 = arith.constant 10240 : i32
      %parallel_loop3A_199 = arith.addi %parallel_loop3A_198, %parallel_loop3A_197 : i32
      %parallel_loop3A_200 = arith.index_cast %parallel_loop3A_199 : i32 to index
      %parallel_loop3A_201 = tpu.vector_load %arg8[%parallel_loop3A_200] {strides = array<i32>} : memref<16384xf32, #tpu.memory_space<vmem>>, vector<16xf32>,
      tpu.vector_store %arg8[%parallel_loop3A_200], %broadcast_in_dim3A_3 {strides = array<i32>} : memref<16384xf32, #tpu.memory_space<vmem>>, vector<16xf32>,
      %parallel_loop3A_202 = arith.constant 16 : i32
      %parallel_loop3A_203 = arith.muli %parallel_loop3A_75, %parallel_loop3A_202 : i32
      %parallel_loop3A_204 = arith.constant 10240 : i32
      %parallel_loop3A_205 = arith.addi %parallel_loop3A_204, %parallel_loop3A_203 : i32
      %parallel_loop3A_206 = arith.index_cast %parallel_loop3A_205 : i32 to index
      %parallel_loop3A_207 = tpu.vector_load %arg9[%parallel_loop3A_206] {strides = array<i32>} : memref<16384xf32, #tpu.memory_space<vmem>>, vector<16xf32>,
      tpu.vector_store %arg9[%parallel_loop3A_206], %broadcast_in_dim3A_3 {strides = array<i32>} : memref<16384xf32, #tpu.memory_space<vmem>>, vector<16xf32>,
      %parallel_loop3A_208 = arith.constant 16 : i32
      %parallel_loop3A_209 = arith.muli %parallel_loop3A_75, %parallel_loop3A_208 : i32
      %parallel_loop3A_210 = arith.constant 11264 : i32
      %parallel_loop3A_211 = arith.addi %parallel_loop3A_210, %parallel_loop3A_209 : i32
      %parallel_loop3A_212 = arith.index_cast %parallel_loop3A_211 : i32 to index
      %parallel_loop3A_213 = tpu.vector_load %arg8[%parallel_loop3A_212] {strides = array<i32>} : memref<16384xf32, #tpu.memory_space<vmem>>, vector<16xf32>,
      tpu.vector_store %arg8[%parallel_loop3A_212], %broadcast_in_dim3A_3 {strides = array<i32>} : memref<16384xf32, #tpu.memory_space<vmem>>, vector<16xf32>,
      %parallel_loop3A_214 = arith.constant 16 : i32
      %parallel_loop3A_215 = arith.muli %parallel_loop3A_75, %parallel_loop3A_214 : i32
      %parallel_loop3A_216 = arith.constant 11264 : i32
      %parallel_loop3A_217 = arith.addi %parallel_loop3A_216, %parallel_loop3A_215 : i32
      %parallel_loop3A_218 = arith.index_cast %parallel_loop3A_217 : i32 to index
      %parallel_loop3A_219 = tpu.vector_load %arg9[%parallel_loop3A_218] {strides = array<i32>} : memref<16384xf32, #tpu.memory_space<vmem>>, vector<16xf32>,
      tpu.vector_store %arg9[%parallel_loop3A_218], %broadcast_in_dim3A_3 {strides = array<i32>} : memref<16384xf32, #tpu.memory_space<vmem>>, vector<16xf32>,
      %parallel_loop3A_220 = arith.constant 16 : i32
      %parallel_loop3A_221 = arith.muli %parallel_loop3A_75, %parallel_loop3A_220 : i32
      %parallel_loop3A_222 = arith.constant 12288 : i32
      %parallel_loop3A_223 = arith.addi %parallel_loop3A_222, %parallel_loop3A_221 : i32
      %parallel_loop3A_224 = arith.index_cast %parallel_loop3A_223 : i32 to index
      %parallel_loop3A_225 = tpu.vector_load %arg8[%parallel_loop3A_224] {strides = array<i32>} : memref<16384xf32, #tpu.memory_space<vmem>>, vector<16xf32>,
      tpu.vector_store %arg8[%parallel_loop3A_224], %broadcast_in_dim3A_3 {strides = array<i32>} : memref<16384xf32, #tpu.memory_space<vmem>>, vector<16xf32>,
      %parallel_loop3A_226 = arith.constant 16 : i32
      %parallel_loop3A_227 = arith.muli %parallel_loop3A_75, %parallel_loop3A_226 : i32
      %parallel_loop3A_228 = arith.constant 12288 : i32
      %parallel_loop3A_229 = arith.addi %parallel_loop3A_228, %parallel_loop3A_227 : i32
      %parallel_loop3A_230 = arith.index_cast %parallel_loop3A_229 : i32 to index
      %parallel_loop3A_231 = tpu.vector_load %arg9[%parallel_loop3A_230] {strides = array<i32>} : memref<16384xf32, #tpu.memory_space<vmem>>, vector<16xf32>,
      tpu.vector_store %arg9[%parallel_loop3A_230], %broadcast_in_dim3A_3 {strides = array<i32>} : memref<16384xf32, #tpu.memory_space<vmem>>, vector<16xf32>,
      %parallel_loop3A_232 = arith.constant 16 : i32
      %parallel_loop3A_233 = arith.muli %parallel_loop3A_75, %parallel_loop3A_232 : i32
      %parallel_loop3A_234 = arith.constant 13312 : i32
      %parallel_loop3A_235 = arith.addi %parallel_loop3A_234, %parallel_loop3A_233 : i32
      %parallel_loop3A_236 = arith.index_cast %parallel_loop3A_235 : i32 to index
      %parallel_loop3A_237 = tpu.vector_load %arg8[%parallel_loop3A_236] {strides = array<i32>} : memref<16384xf32, #tpu.memory_space<vmem>>, vector<16xf32>,
      tpu.vector_store %arg8[%parallel_loop3A_236], %broadcast_in_dim3A_3 {strides = array<i32>} : memref<16384xf32, #tpu.memory_space<vmem>>, vector<16xf32>,
      %parallel_loop3A_238 = arith.constant 16 : i32
      %parallel_loop3A_239 = arith.muli %parallel_loop3A_75, %parallel_loop3A_238 : i32
      %parallel_loop3A_240 = arith.constant 13312 : i32
      %parallel_loop3A_241 = arith.addi %parallel_loop3A_240, %parallel_loop3A_239 : i32
      %parallel_loop3A_242 = arith.index_cast %parallel_loop3A_241 : i32 to index
      %parallel_loop3A_243 = tpu.vector_load %arg9[%parallel_loop3A_242] {strides = array<i32>} : memref<16384xf32, #tpu.memory_space<vmem>>, vector<16xf32>,
      tpu.vector_store %arg9[%parallel_loop3A_242], %broadcast_in_dim3A_3 {strides = array<i32>} : memref<16384xf32, #tpu.memory_space<vmem>>, vector<16xf32>,
      %parallel_loop3A_244 = arith.constant 16 : i32
      %parallel_loop3A_245 = arith.muli %parallel_loop3A_75, %parallel_loop3A_244 : i32
      %parallel_loop3A_246 = arith.constant 14336 : i32
      %parallel_loop3A_247 = arith.addi %parallel_loop3A_246, %parallel_loop3A_245 : i32
      %parallel_loop3A_248 = arith.index_cast %parallel_loop3A_247 : i32 to index
      %parallel_loop3A_249 = tpu.vector_load %arg8[%parallel_loop3A_248] {strides = array<i32>} : memref<16384xf32, #tpu.memory_space<vmem>>, vector<16xf32>,
      tpu.vector_store %arg8[%parallel_loop3A_248], %broadcast_in_dim3A_3 {strides = array<i32>} : memref<16384xf32, #tpu.memory_space<vmem>>, vector<16xf32>,
      %parallel_loop3A_250 = arith.constant 16 : i32
      %parallel_loop3A_251 = arith.muli %parallel_loop3A_75, %parallel_loop3A_250 : i32
      %parallel_loop3A_252 = arith.constant 14336 : i32
      %parallel_loop3A_253 = arith.addi %parallel_loop3A_252, %parallel_loop3A_251 : i32
      %parallel_loop3A_254 = arith.index_cast %parallel_loop3A_253 : i32 to index
      %parallel_loop3A_255 = tpu.vector_load %arg9[%parallel_loop3A_254] {strides = array<i32>} : memref<16384xf32, #tpu.memory_space<vmem>>, vector<16xf32>,
      tpu.vector_store %arg9[%parallel_loop3A_254], %broadcast_in_dim3A_3 {strides = array<i32>} : memref<16384xf32, #tpu.memory_space<vmem>>, vector<16xf32>,
      %parallel_loop3A_256 = arith.constant 16 : i32
      %parallel_loop3A_257 = arith.muli %parallel_loop3A_75, %parallel_loop3A_256 : i32
      %parallel_loop3A_258 = arith.constant 15360 : i32
      %parallel_loop3A_259 = arith.addi %parallel_loop3A_258, %parallel_loop3A_257 : i32
      %parallel_loop3A_260 = arith.index_cast %parallel_loop3A_259 : i32 to index
      %parallel_loop3A_261 = tpu.vector_load %arg8[%parallel_loop3A_260] {strides = array<i32>} : memref<16384xf32, #tpu.memory_space<vmem>>, vector<16xf32>,
      tpu.vector_store %arg8[%parallel_loop3A_260], %broadcast_in_dim3A_3 {strides = array<i32>} : memref<16384xf32, #tpu.memory_space<vmem>>, vector<16xf32>,
      %parallel_loop3A_262 = arith.constant 16 : i32
      %parallel_loop3A_263 = arith.muli %parallel_loop3A_75, %parallel_loop3A_262 : i32
      %parallel_loop3A_264 = arith.constant 15360 : i32
      %parallel_loop3A_265 = arith.addi %parallel_loop3A_264, %parallel_loop3A_263 : i32
      %parallel_loop3A_266 = arith.index_cast %parallel_loop3A_265 : i32 to index
      %parallel_loop3A_267 = tpu.vector_load %arg9[%parallel_loop3A_266] {strides = array<i32>} : memref<16384xf32, #tpu.memory_space<vmem>>, vector<16xf32>,
      tpu.vector_store %arg9[%parallel_loop3A_266], %broadcast_in_dim3A_3 {strides = array<i32>} : memref<16384xf32, #tpu.memory_space<vmem>>, vector<16xf32>,
    } {sc.loop_unroll_factor = 2 : i64, sc.parallel_access}
    %parallel_loop3A_68 = arith.constant 0 : i32
    %parallel_loop3A_69 = arith.constant 64 : i32
    %parallel_loop3A_70 = arith.constant 1 : i32
    scf.for %parallel_loop3A_75 = %parallel_loop3A_68 to %parallel_loop3A_69 step %parallel_loop3A_70  : i32 {
      %parallel_loop3A_76 = arith.constant 16 : i32
      %parallel_loop3A_77 = arith.muli %parallel_loop3A_75, %parallel_loop3A_76 : i32
      %parallel_loop3A_78 = arith.index_cast %parallel_loop3A_77 : i32 to index
      %parallel_loop3A_79 = tpu.vector_load %arg10[%parallel_loop3A_78] {strides = array<i32>} : memref<1024xf32, #tpu.memory_space<vmem>>, vector<16xf32>,
      tpu.vector_store %arg10[%parallel_loop3A_78], %broadcast_in_dim3A_3 {strides = array<i32>} : memref<1024xf32, #tpu.memory_space<vmem>>, vector<16xf32>,
      %parallel_loop3A_80 = arith.constant 16 : i32
      %parallel_loop3A_81 = arith.muli %parallel_loop3A_75, %parallel_loop3A_80 : i32
      %parallel_loop3A_82 = arith.index_cast %parallel_loop3A_81 : i32 to index
      %parallel_loop3A_83 = tpu.vector_load %arg11[%parallel_loop3A_82] {strides = array<i32>} : memref<1024xf32, #tpu.memory_space<vmem>>, vector<16xf32>,
      tpu.vector_store %arg11[%parallel_loop3A_82], %broadcast_in_dim3A_3 {strides = array<i32>} : memref<1024xf32, #tpu.memory_space<vmem>>, vector<16xf32>,
    } {sc.loop_unroll_factor = 8 : i64, sc.parallel_access}
    %parallel_loop3A_71 = arith.constant 0 : i32
    %parallel_loop3A_72 = arith.constant 512 : i32
    %parallel_loop3A_73 = arith.constant 1 : i32
    scf.for %parallel_loop3A_75 = %parallel_loop3A_71 to %parallel_loop3A_72 step %parallel_loop3A_73  : i32 {
      %parallel_loop3A_76 = arith.constant 16 : i32
      %parallel_loop3A_77 = arith.muli %parallel_loop3A_75, %parallel_loop3A_76 : i32
      %parallel_loop3A_78 = arith.index_cast %parallel_loop3A_77 : i32 to index
      %parallel_loop3A_79 = tpu.vector_load %arg6[%parallel_loop3A_78] {strides = array<i32>} : memref<8192xf32, #tpu.memory_space<vmem>>, vector<16xf32>,
      %parallel_loop3A_80 = arith.constant 16 : i32
      %parallel_loop3A_81 = arith.muli %parallel_loop3A_75, %parallel_loop3A_80 : i32
      %parallel_loop3A_82 = arith.index_cast %parallel_loop3A_81 : i32 to index
      %parallel_loop3A_83 = tpu.vector_load %arg7[%parallel_loop3A_82] {strides = array<i32>} : memref<8192xi32, #tpu.memory_space<vmem>>, vector<16xi32>,
      %parallel_loop3A_84 = arith.addi %parallel_loop3A_83, %mul3A_8 : vector<16xi32>
      tpu.vector_store_idx %arg8[%parallel_loop3A_84], %parallel_loop3A_79 {add = true} : memref<16384xf32, #tpu.memory_space<vmem>>[vector<16xi32>], vector<16xf32>,
      tpu.vector_store_idx %arg9[%parallel_loop3A_84], %broadcast_in_dim3A_5 {add = true} : memref<16384xf32, #tpu.memory_space<vmem>>[vector<16xi32>], vector<16xf32>,
    } {sc.loop_unroll_factor = 8 : i64, sc.parallel_access}
    %parallel_loop3A_74 = arith.constant 1 : i32
    scf.for %parallel_loop3A_75 = %select_n3A to %add3A_67 step %parallel_loop3A_74  : i32 {
      %parallel_loop3A_76 = arith.constant 16 : i32
      %parallel_loop3A_77 = arith.muli %parallel_loop3A_75, %parallel_loop3A_76 : i32
      %parallel_loop3A_78 = arith.constant 0 : i32
      %parallel_loop3A_79 = arith.addi %parallel_loop3A_78, %parallel_loop3A_77 : i32
      %parallel_loop3A_80 = arith.index_cast %parallel_loop3A_79 : i32 to index
      %parallel_loop3A_81 = tpu.vector_load %arg8[%parallel_loop3A_80] {strides = array<i32>} : memref<16384xf32, #tpu.memory_space<vmem>>, vector<16xf32>,
      %parallel_loop3A_82 = arith.addf %broadcast_in_dim3A_3, %parallel_loop3A_81 : vector<16xf32>
      %parallel_loop3A_83 = arith.constant 16 : i32
      %parallel_loop3A_84 = arith.muli %parallel_loop3A_75, %parallel_loop3A_83 : i32
      %parallel_loop3A_85 = arith.constant 0 : i32
      %parallel_loop3A_86 = arith.addi %parallel_loop3A_85, %parallel_loop3A_84 : i32
      %parallel_loop3A_87 = arith.index_cast %parallel_loop3A_86 : i32 to index
      %parallel_loop3A_88 = tpu.vector_load %arg9[%parallel_loop3A_87] {strides = array<i32>} : memref<16384xf32, #tpu.memory_space<vmem>>, vector<16xf32>,
      %parallel_loop3A_89 = arith.addf %broadcast_in_dim3A_3, %parallel_loop3A_88 : vector<16xf32>
      %parallel_loop3A_90 = arith.constant 16 : i32
      %parallel_loop3A_91 = arith.muli %parallel_loop3A_75, %parallel_loop3A_90 : i32
      %parallel_loop3A_92 = arith.constant 1024 : i32
      %parallel_loop3A_93 = arith.addi %parallel_loop3A_92, %parallel_loop3A_91 : i32
      %parallel_loop3A_94 = arith.index_cast %parallel_loop3A_93 : i32 to index
      %parallel_loop3A_95 = tpu.vector_load %arg8[%parallel_loop3A_94] {strides = array<i32>} : memref<16384xf32, #tpu.memory_space<vmem>>, vector<16xf32>,
      %parallel_loop3A_96 = arith.addf %parallel_loop3A_82, %parallel_loop3A_95 : vector<16xf32>
      %parallel_loop3A_97 = arith.constant 16 : i32
      %parallel_loop3A_98 = arith.muli %parallel_loop3A_75, %parallel_loop3A_97 : i32
      %parallel_loop3A_99 = arith.constant 1024 : i32
      %parallel_loop3A_100 = arith.addi %parallel_loop3A_99, %parallel_loop3A_98 : i32
      %parallel_loop3A_101 = arith.index_cast %parallel_loop3A_100 : i32 to index
      %parallel_loop3A_102 = tpu.vector_load %arg9[%parallel_loop3A_101] {strides = array<i32>} : memref<16384xf32, #tpu.memory_space<vmem>>, vector<16xf32>,
      %parallel_loop3A_103 = arith.addf %parallel_loop3A_89, %parallel_loop3A_102 : vector<16xf32>
      %parallel_loop3A_104 = arith.constant 16 : i32
      %parallel_loop3A_105 = arith.muli %parallel_loop3A_75, %parallel_loop3A_104 : i32
      %parallel_loop3A_106 = arith.constant 2048 : i32
      %parallel_loop3A_107 = arith.addi %parallel_loop3A_106, %parallel_loop3A_105 : i32
      %parallel_loop3A_108 = arith.index_cast %parallel_loop3A_107 : i32 to index
      %parallel_loop3A_109 = tpu.vector_load %arg8[%parallel_loop3A_108] {strides = array<i32>} : memref<16384xf32, #tpu.memory_space<vmem>>, vector<16xf32>,
      %parallel_loop3A_110 = arith.addf %parallel_loop3A_96, %parallel_loop3A_109 : vector<16xf32>
      %parallel_loop3A_111 = arith.constant 16 : i32
      %parallel_loop3A_112 = arith.muli %parallel_loop3A_75, %parallel_loop3A_111 : i32
      %parallel_loop3A_113 = arith.constant 2048 : i32
      %parallel_loop3A_114 = arith.addi %parallel_loop3A_113, %parallel_loop3A_112 : i32
      %parallel_loop3A_115 = arith.index_cast %parallel_loop3A_114 : i32 to index
      %parallel_loop3A_116 = tpu.vector_load %arg9[%parallel_loop3A_115] {strides = array<i32>} : memref<16384xf32, #tpu.memory_space<vmem>>, vector<16xf32>,
      %parallel_loop3A_117 = arith.addf %parallel_loop3A_103, %parallel_loop3A_116 : vector<16xf32>
      %parallel_loop3A_118 = arith.constant 16 : i32
      %parallel_loop3A_119 = arith.muli %parallel_loop3A_75, %parallel_loop3A_118 : i32
      %parallel_loop3A_120 = arith.constant 3072 : i32
      %parallel_loop3A_121 = arith.addi %parallel_loop3A_120, %parallel_loop3A_119 : i32
      %parallel_loop3A_122 = arith.index_cast %parallel_loop3A_121 : i32 to index
      %parallel_loop3A_123 = tpu.vector_load %arg8[%parallel_loop3A_122] {strides = array<i32>} : memref<16384xf32, #tpu.memory_space<vmem>>, vector<16xf32>,
      %parallel_loop3A_124 = arith.addf %parallel_loop3A_110, %parallel_loop3A_123 : vector<16xf32>
      %parallel_loop3A_125 = arith.constant 16 : i32
      %parallel_loop3A_126 = arith.muli %parallel_loop3A_75, %parallel_loop3A_125 : i32
      %parallel_loop3A_127 = arith.constant 3072 : i32
      %parallel_loop3A_128 = arith.addi %parallel_loop3A_127, %parallel_loop3A_126 : i32
      %parallel_loop3A_129 = arith.index_cast %parallel_loop3A_128 : i32 to index
      %parallel_loop3A_130 = tpu.vector_load %arg9[%parallel_loop3A_129] {strides = array<i32>} : memref<16384xf32, #tpu.memory_space<vmem>>, vector<16xf32>,
      %parallel_loop3A_131 = arith.addf %parallel_loop3A_117, %parallel_loop3A_130 : vector<16xf32>
      %parallel_loop3A_132 = arith.constant 16 : i32
      %parallel_loop3A_133 = arith.muli %parallel_loop3A_75, %parallel_loop3A_132 : i32
      %parallel_loop3A_134 = arith.constant 4096 : i32
      %parallel_loop3A_135 = arith.addi %parallel_loop3A_134, %parallel_loop3A_133 : i32
      %parallel_loop3A_136 = arith.index_cast %parallel_loop3A_135 : i32 to index
      %parallel_loop3A_137 = tpu.vector_load %arg8[%parallel_loop3A_136] {strides = array<i32>} : memref<16384xf32, #tpu.memory_space<vmem>>, vector<16xf32>,
      %parallel_loop3A_138 = arith.addf %parallel_loop3A_124, %parallel_loop3A_137 : vector<16xf32>
      %parallel_loop3A_139 = arith.constant 16 : i32
      %parallel_loop3A_140 = arith.muli %parallel_loop3A_75, %parallel_loop3A_139 : i32
      %parallel_loop3A_141 = arith.constant 4096 : i32
      %parallel_loop3A_142 = arith.addi %parallel_loop3A_141, %parallel_loop3A_140 : i32
      %parallel_loop3A_143 = arith.index_cast %parallel_loop3A_142 : i32 to index
      %parallel_loop3A_144 = tpu.vector_load %arg9[%parallel_loop3A_143] {strides = array<i32>} : memref<16384xf32, #tpu.memory_space<vmem>>, vector<16xf32>,
      %parallel_loop3A_145 = arith.addf %parallel_loop3A_131, %parallel_loop3A_144 : vector<16xf32>
      %parallel_loop3A_146 = arith.constant 16 : i32
      %parallel_loop3A_147 = arith.muli %parallel_loop3A_75, %parallel_loop3A_146 : i32
      %parallel_loop3A_148 = arith.constant 5120 : i32
      %parallel_loop3A_149 = arith.addi %parallel_loop3A_148, %parallel_loop3A_147 : i32
      %parallel_loop3A_150 = arith.index_cast %parallel_loop3A_149 : i32 to index
      %parallel_loop3A_151 = tpu.vector_load %arg8[%parallel_loop3A_150] {strides = array<i32>} : memref<16384xf32, #tpu.memory_space<vmem>>, vector<16xf32>,
      %parallel_loop3A_152 = arith.addf %parallel_loop3A_138, %parallel_loop3A_151 : vector<16xf32>
      %parallel_loop3A_153 = arith.constant 16 : i32
      %parallel_loop3A_154 = arith.muli %parallel_loop3A_75, %parallel_loop3A_153 : i32
      %parallel_loop3A_155 = arith.constant 5120 : i32
      %parallel_loop3A_156 = arith.addi %parallel_loop3A_155, %parallel_loop3A_154 : i32
      %parallel_loop3A_157 = arith.index_cast %parallel_loop3A_156 : i32 to index
      %parallel_loop3A_158 = tpu.vector_load %arg9[%parallel_loop3A_157] {strides = array<i32>} : memref<16384xf32, #tpu.memory_space<vmem>>, vector<16xf32>,
      %parallel_loop3A_159 = arith.addf %parallel_loop3A_145, %parallel_loop3A_158 : vector<16xf32>
      %parallel_loop3A_160 = arith.constant 16 : i32
      %parallel_loop3A_161 = arith.muli %parallel_loop3A_75, %parallel_loop3A_160 : i32
      %parallel_loop3A_162 = arith.constant 6144 : i32
      %parallel_loop3A_163 = arith.addi %parallel_loop3A_162, %parallel_loop3A_161 : i32
      %parallel_loop3A_164 = arith.index_cast %parallel_loop3A_163 : i32 to index
      %parallel_loop3A_165 = tpu.vector_load %arg8[%parallel_loop3A_164] {strides = array<i32>} : memref<16384xf32, #tpu.memory_space<vmem>>, vector<16xf32>,
      %parallel_loop3A_166 = arith.addf %parallel_loop3A_152, %parallel_loop3A_165 : vector<16xf32>
      %parallel_loop3A_167 = arith.constant 16 : i32
      %parallel_loop3A_168 = arith.muli %parallel_loop3A_75, %parallel_loop3A_167 : i32
      %parallel_loop3A_169 = arith.constant 6144 : i32
      %parallel_loop3A_170 = arith.addi %parallel_loop3A_169, %parallel_loop3A_168 : i32
      %parallel_loop3A_171 = arith.index_cast %parallel_loop3A_170 : i32 to index
      %parallel_loop3A_172 = tpu.vector_load %arg9[%parallel_loop3A_171] {strides = array<i32>} : memref<16384xf32, #tpu.memory_space<vmem>>, vector<16xf32>,
      %parallel_loop3A_173 = arith.addf %parallel_loop3A_159, %parallel_loop3A_172 : vector<16xf32>
      %parallel_loop3A_174 = arith.constant 16 : i32
      %parallel_loop3A_175 = arith.muli %parallel_loop3A_75, %parallel_loop3A_174 : i32
      %parallel_loop3A_176 = arith.constant 7168 : i32
      %parallel_loop3A_177 = arith.addi %parallel_loop3A_176, %parallel_loop3A_175 : i32
      %parallel_loop3A_178 = arith.index_cast %parallel_loop3A_177 : i32 to index
      %parallel_loop3A_179 = tpu.vector_load %arg8[%parallel_loop3A_178] {strides = array<i32>} : memref<16384xf32, #tpu.memory_space<vmem>>, vector<16xf32>,
      %parallel_loop3A_180 = arith.addf %parallel_loop3A_166, %parallel_loop3A_179 : vector<16xf32>
      %parallel_loop3A_181 = arith.constant 16 : i32
      %parallel_loop3A_182 = arith.muli %parallel_loop3A_75, %parallel_loop3A_181 : i32
      %parallel_loop3A_183 = arith.constant 7168 : i32
      %parallel_loop3A_184 = arith.addi %parallel_loop3A_183, %parallel_loop3A_182 : i32
      %parallel_loop3A_185 = arith.index_cast %parallel_loop3A_184 : i32 to index
      %parallel_loop3A_186 = tpu.vector_load %arg9[%parallel_loop3A_185] {strides = array<i32>} : memref<16384xf32, #tpu.memory_space<vmem>>, vector<16xf32>,
      %parallel_loop3A_187 = arith.addf %parallel_loop3A_173, %parallel_loop3A_186 : vector<16xf32>
      %parallel_loop3A_188 = arith.constant 16 : i32
      %parallel_loop3A_189 = arith.muli %parallel_loop3A_75, %parallel_loop3A_188 : i32
      %parallel_loop3A_190 = arith.constant 8192 : i32
      %parallel_loop3A_191 = arith.addi %parallel_loop3A_190, %parallel_loop3A_189 : i32
      %parallel_loop3A_192 = arith.index_cast %parallel_loop3A_191 : i32 to index
      %parallel_loop3A_193 = tpu.vector_load %arg8[%parallel_loop3A_192] {strides = array<i32>} : memref<16384xf32, #tpu.memory_space<vmem>>, vector<16xf32>,
      %parallel_loop3A_194 = arith.addf %parallel_loop3A_180, %parallel_loop3A_193 : vector<16xf32>
      %parallel_loop3A_195 = arith.constant 16 : i32
      %parallel_loop3A_196 = arith.muli %parallel_loop3A_75, %parallel_loop3A_195 : i32
      %parallel_loop3A_197 = arith.constant 8192 : i32
      %parallel_loop3A_198 = arith.addi %parallel_loop3A_197, %parallel_loop3A_196 : i32
      %parallel_loop3A_199 = arith.index_cast %parallel_loop3A_198 : i32 to index
      %parallel_loop3A_200 = tpu.vector_load %arg9[%parallel_loop3A_199] {strides = array<i32>} : memref<16384xf32, #tpu.memory_space<vmem>>, vector<16xf32>,
      %parallel_loop3A_201 = arith.addf %parallel_loop3A_187, %parallel_loop3A_200 : vector<16xf32>
      %parallel_loop3A_202 = arith.constant 16 : i32
      %parallel_loop3A_203 = arith.muli %parallel_loop3A_75, %parallel_loop3A_202 : i32
      %parallel_loop3A_204 = arith.constant 9216 : i32
      %parallel_loop3A_205 = arith.addi %parallel_loop3A_204, %parallel_loop3A_203 : i32
      %parallel_loop3A_206 = arith.index_cast %parallel_loop3A_205 : i32 to index
      %parallel_loop3A_207 = tpu.vector_load %arg8[%parallel_loop3A_206] {strides = array<i32>} : memref<16384xf32, #tpu.memory_space<vmem>>, vector<16xf32>,
      %parallel_loop3A_208 = arith.addf %parallel_loop3A_194, %parallel_loop3A_207 : vector<16xf32>
      %parallel_loop3A_209 = arith.constant 16 : i32
      %parallel_loop3A_210 = arith.muli %parallel_loop3A_75, %parallel_loop3A_209 : i32
      %parallel_loop3A_211 = arith.constant 9216 : i32
      %parallel_loop3A_212 = arith.addi %parallel_loop3A_211, %parallel_loop3A_210 : i32
      %parallel_loop3A_213 = arith.index_cast %parallel_loop3A_212 : i32 to index
      %parallel_loop3A_214 = tpu.vector_load %arg9[%parallel_loop3A_213] {strides = array<i32>} : memref<16384xf32, #tpu.memory_space<vmem>>, vector<16xf32>,
      %parallel_loop3A_215 = arith.addf %parallel_loop3A_201, %parallel_loop3A_214 : vector<16xf32>
      %parallel_loop3A_216 = arith.constant 16 : i32
      %parallel_loop3A_217 = arith.muli %parallel_loop3A_75, %parallel_loop3A_216 : i32
      %parallel_loop3A_218 = arith.constant 10240 : i32
      %parallel_loop3A_219 = arith.addi %parallel_loop3A_218, %parallel_loop3A_217 : i32
      %parallel_loop3A_220 = arith.index_cast %parallel_loop3A_219 : i32 to index
      %parallel_loop3A_221 = tpu.vector_load %arg8[%parallel_loop3A_220] {strides = array<i32>} : memref<16384xf32, #tpu.memory_space<vmem>>, vector<16xf32>,
      %parallel_loop3A_222 = arith.addf %parallel_loop3A_208, %parallel_loop3A_221 : vector<16xf32>
      %parallel_loop3A_223 = arith.constant 16 : i32
      %parallel_loop3A_224 = arith.muli %parallel_loop3A_75, %parallel_loop3A_223 : i32
      %parallel_loop3A_225 = arith.constant 10240 : i32
      %parallel_loop3A_226 = arith.addi %parallel_loop3A_225, %parallel_loop3A_224 : i32
      %parallel_loop3A_227 = arith.index_cast %parallel_loop3A_226 : i32 to index
      %parallel_loop3A_228 = tpu.vector_load %arg9[%parallel_loop3A_227] {strides = array<i32>} : memref<16384xf32, #tpu.memory_space<vmem>>, vector<16xf32>,
      %parallel_loop3A_229 = arith.addf %parallel_loop3A_215, %parallel_loop3A_228 : vector<16xf32>
      %parallel_loop3A_230 = arith.constant 16 : i32
      %parallel_loop3A_231 = arith.muli %parallel_loop3A_75, %parallel_loop3A_230 : i32
      %parallel_loop3A_232 = arith.constant 11264 : i32
      %parallel_loop3A_233 = arith.addi %parallel_loop3A_232, %parallel_loop3A_231 : i32
      %parallel_loop3A_234 = arith.index_cast %parallel_loop3A_233 : i32 to index
      %parallel_loop3A_235 = tpu.vector_load %arg8[%parallel_loop3A_234] {strides = array<i32>} : memref<16384xf32, #tpu.memory_space<vmem>>, vector<16xf32>,
      %parallel_loop3A_236 = arith.addf %parallel_loop3A_222, %parallel_loop3A_235 : vector<16xf32>
      %parallel_loop3A_237 = arith.constant 16 : i32
      %parallel_loop3A_238 = arith.muli %parallel_loop3A_75, %parallel_loop3A_237 : i32
      %parallel_loop3A_239 = arith.constant 11264 : i32
      %parallel_loop3A_240 = arith.addi %parallel_loop3A_239, %parallel_loop3A_238 : i32
      %parallel_loop3A_241 = arith.index_cast %parallel_loop3A_240 : i32 to index
      %parallel_loop3A_242 = tpu.vector_load %arg9[%parallel_loop3A_241] {strides = array<i32>} : memref<16384xf32, #tpu.memory_space<vmem>>, vector<16xf32>,
      %parallel_loop3A_243 = arith.addf %parallel_loop3A_229, %parallel_loop3A_242 : vector<16xf32>
      %parallel_loop3A_244 = arith.constant 16 : i32
      %parallel_loop3A_245 = arith.muli %parallel_loop3A_75, %parallel_loop3A_244 : i32
      %parallel_loop3A_246 = arith.constant 12288 : i32
      %parallel_loop3A_247 = arith.addi %parallel_loop3A_246, %parallel_loop3A_245 : i32
      %parallel_loop3A_248 = arith.index_cast %parallel_loop3A_247 : i32 to index
      %parallel_loop3A_249 = tpu.vector_load %arg8[%parallel_loop3A_248] {strides = array<i32>} : memref<16384xf32, #tpu.memory_space<vmem>>, vector<16xf32>,
      %parallel_loop3A_250 = arith.addf %parallel_loop3A_236, %parallel_loop3A_249 : vector<16xf32>
      %parallel_loop3A_251 = arith.constant 16 : i32
      %parallel_loop3A_252 = arith.muli %parallel_loop3A_75, %parallel_loop3A_251 : i32
      %parallel_loop3A_253 = arith.constant 12288 : i32
      %parallel_loop3A_254 = arith.addi %parallel_loop3A_253, %parallel_loop3A_252 : i32
      %parallel_loop3A_255 = arith.index_cast %parallel_loop3A_254 : i32 to index
      %parallel_loop3A_256 = tpu.vector_load %arg9[%parallel_loop3A_255] {strides = array<i32>} : memref<16384xf32, #tpu.memory_space<vmem>>, vector<16xf32>,
      %parallel_loop3A_257 = arith.addf %parallel_loop3A_243, %parallel_loop3A_256 : vector<16xf32>
      %parallel_loop3A_258 = arith.constant 16 : i32
      %parallel_loop3A_259 = arith.muli %parallel_loop3A_75, %parallel_loop3A_258 : i32
      %parallel_loop3A_260 = arith.constant 13312 : i32
      %parallel_loop3A_261 = arith.addi %parallel_loop3A_260, %parallel_loop3A_259 : i32
      %parallel_loop3A_262 = arith.index_cast %parallel_loop3A_261 : i32 to index
      %parallel_loop3A_263 = tpu.vector_load %arg8[%parallel_loop3A_262] {strides = array<i32>} : memref<16384xf32, #tpu.memory_space<vmem>>, vector<16xf32>,
      %parallel_loop3A_264 = arith.addf %parallel_loop3A_250, %parallel_loop3A_263 : vector<16xf32>
      %parallel_loop3A_265 = arith.constant 16 : i32
      %parallel_loop3A_266 = arith.muli %parallel_loop3A_75, %parallel_loop3A_265 : i32
      %parallel_loop3A_267 = arith.constant 13312 : i32
      %parallel_loop3A_268 = arith.addi %parallel_loop3A_267, %parallel_loop3A_266 : i32
      %parallel_loop3A_269 = arith.index_cast %parallel_loop3A_268 : i32 to index
      %parallel_loop3A_270 = tpu.vector_load %arg9[%parallel_loop3A_269] {strides = array<i32>} : memref<16384xf32, #tpu.memory_space<vmem>>, vector<16xf32>,
      %parallel_loop3A_271 = arith.addf %parallel_loop3A_257, %parallel_loop3A_270 : vector<16xf32>
      %parallel_loop3A_272 = arith.constant 16 : i32
      %parallel_loop3A_273 = arith.muli %parallel_loop3A_75, %parallel_loop3A_272 : i32
      %parallel_loop3A_274 = arith.constant 14336 : i32
      %parallel_loop3A_275 = arith.addi %parallel_loop3A_274, %parallel_loop3A_273 : i32
      %parallel_loop3A_276 = arith.index_cast %parallel_loop3A_275 : i32 to index
      %parallel_loop3A_277 = tpu.vector_load %arg8[%parallel_loop3A_276] {strides = array<i32>} : memref<16384xf32, #tpu.memory_space<vmem>>, vector<16xf32>,
      %parallel_loop3A_278 = arith.addf %parallel_loop3A_264, %parallel_loop3A_277 : vector<16xf32>
      %parallel_loop3A_279 = arith.constant 16 : i32
      %parallel_loop3A_280 = arith.muli %parallel_loop3A_75, %parallel_loop3A_279 : i32
      %parallel_loop3A_281 = arith.constant 14336 : i32
      %parallel_loop3A_282 = arith.addi %parallel_loop3A_281, %parallel_loop3A_280 : i32
      %parallel_loop3A_283 = arith.index_cast %parallel_loop3A_282 : i32 to index
      %parallel_loop3A_284 = tpu.vector_load %arg9[%parallel_loop3A_283] {strides = array<i32>} : memref<16384xf32, #tpu.memory_space<vmem>>, vector<16xf32>,
      %parallel_loop3A_285 = arith.addf %parallel_loop3A_271, %parallel_loop3A_284 : vector<16xf32>
      %parallel_loop3A_286 = arith.constant 16 : i32
      %parallel_loop3A_287 = arith.muli %parallel_loop3A_75, %parallel_loop3A_286 : i32
      %parallel_loop3A_288 = arith.constant 15360 : i32
      %parallel_loop3A_289 = arith.addi %parallel_loop3A_288, %parallel_loop3A_287 : i32
      %parallel_loop3A_290 = arith.index_cast %parallel_loop3A_289 : i32 to index
      %parallel_loop3A_291 = tpu.vector_load %arg8[%parallel_loop3A_290] {strides = array<i32>} : memref<16384xf32, #tpu.memory_space<vmem>>, vector<16xf32>,
      %parallel_loop3A_292 = arith.addf %parallel_loop3A_278, %parallel_loop3A_291 : vector<16xf32>
      %parallel_loop3A_293 = arith.constant 16 : i32
      %parallel_loop3A_294 = arith.muli %parallel_loop3A_75, %parallel_loop3A_293 : i32
      %parallel_loop3A_295 = arith.constant 15360 : i32
      %parallel_loop3A_296 = arith.addi %parallel_loop3A_295, %parallel_loop3A_294 : i32
      %parallel_loop3A_297 = arith.index_cast %parallel_loop3A_296 : i32 to index
      %parallel_loop3A_298 = tpu.vector_load %arg9[%parallel_loop3A_297] {strides = array<i32>} : memref<16384xf32, #tpu.memory_space<vmem>>, vector<16xf32>,
      %parallel_loop3A_299 = arith.addf %parallel_loop3A_285, %parallel_loop3A_298 : vector<16xf32>
      %parallel_loop3A_300 = arith.constant 16 : i32
      %parallel_loop3A_301 = arith.muli %parallel_loop3A_75, %parallel_loop3A_300 : i32
      %parallel_loop3A_302 = arith.index_cast %parallel_loop3A_301 : i32 to index
      %parallel_loop3A_303 = tpu.vector_load %arg10[%parallel_loop3A_302] {strides = array<i32>} : memref<1024xf32, #tpu.memory_space<vmem>>, vector<16xf32>,
      tpu.vector_store %arg10[%parallel_loop3A_302], %parallel_loop3A_292 {strides = array<i32>} : memref<1024xf32, #tpu.memory_space<vmem>>, vector<16xf32>,
      %parallel_loop3A_304 = arith.constant 16 : i32
      %parallel_loop3A_305 = arith.muli %parallel_loop3A_75, %parallel_loop3A_304 : i32
      %parallel_loop3A_306 = arith.index_cast %parallel_loop3A_305 : i32 to index
      %parallel_loop3A_307 = tpu.vector_load %arg11[%parallel_loop3A_306] {strides = array<i32>} : memref<1024xf32, #tpu.memory_space<vmem>>, vector<16xf32>,
      tpu.vector_store %arg11[%parallel_loop3A_306], %parallel_loop3A_299 {strides = array<i32>} : memref<1024xf32, #tpu.memory_space<vmem>>, vector<16xf32>,
    } {sc.loop_unroll_factor = 2 : i64, sc.parallel_access}
    "tpu.region"() ({
      %run_scoped3A = tpu.sem_alloc : memref<!tpu.dma_semaphore, #tpu.memory_space<semaphore_mem>>
      %dma_start3A = arith.constant 0 : i32
      %dma_start3A_75 = tpu.memref_slice %arg4[%add3A, %dma_start3A] : memref<32x1024xf32, #tpu.memory_space<hbm>> -> memref<1x1024xf32, #tpu.memory_space<hbm>>
      %dma_start3A_76 = tpu.memref_squeeze %dma_start3A_75 : memref<1x1024xf32, #tpu.memory_space<hbm>> -> memref<1024xf32, #tpu.memory_space<hbm>>
      %dma_start3A_77 = arith.constant 0 : i32
      %dma_start3A_78 = tpu.memref_slice %arg4[%add3A, %dma_start3A_77] : memref<32x1024xf32, #tpu.memory_space<hbm>> -> memref<1x1024xf32, #tpu.memory_space<hbm>>
      %dma_start3A_79 = tpu.memref_squeeze %dma_start3A_78 : memref<1x1024xf32, #tpu.memory_space<hbm>> -> memref<1024xf32, #tpu.memory_space<hbm>>
      tpu.enqueue_dma source(%arg10 : memref<1024xf32, #tpu.memory_space<vmem>>) target(%dma_start3A_79 : memref<1024xf32, #tpu.memory_space<hbm>>) target_semaphore(%run_scoped3A : memref<!tpu.dma_semaphore, #tpu.memory_space<semaphore_mem>>)
      %dma_wait3A = arith.constant 0 : i32
      %dma_wait3A_80 = tpu.memref_slice %arg4[%add3A, %dma_wait3A] : memref<32x1024xf32, #tpu.memory_space<hbm>> -> memref<1x1024xf32, #tpu.memory_space<hbm>>
      %dma_wait3A_81 = tpu.memref_squeeze %dma_wait3A_80 : memref<1x1024xf32, #tpu.memory_space<hbm>> -> memref<1024xf32, #tpu.memory_space<hbm>>
      %dma_wait3A_82 = arith.constant 0 : i32
      %dma_wait3A_83 = tpu.memref_slice %arg4[%add3A, %dma_wait3A_82] : memref<32x1024xf32, #tpu.memory_space<hbm>> -> memref<1x1024xf32, #tpu.memory_space<hbm>>
      %dma_wait3A_84 = tpu.memref_squeeze %dma_wait3A_83 : memref<1x1024xf32, #tpu.memory_space<hbm>> -> memref<1024xf32, #tpu.memory_space<hbm>>
      tpu.wait_dma2 semaphore(%run_scoped3A : memref<!tpu.dma_semaphore, #tpu.memory_space<semaphore_mem>>) src(%arg10 : memref<1024xf32, #tpu.memory_space<vmem>>) dst(%dma_wait3A_84 : memref<1024xf32, #tpu.memory_space<hbm>>)
      tpu.yield
    }) : () -> ()
    "tpu.region"() ({
      %run_scoped3A = tpu.sem_alloc : memref<!tpu.dma_semaphore, #tpu.memory_space<semaphore_mem>>
      %dma_start3A = arith.constant 0 : i32
      %dma_start3A_75 = tpu.memref_slice %arg5[%add3A, %dma_start3A] : memref<32x1024xf32, #tpu.memory_space<hbm>> -> memref<1x1024xf32, #tpu.memory_space<hbm>>
      %dma_start3A_76 = tpu.memref_squeeze %dma_start3A_75 : memref<1x1024xf32, #tpu.memory_space<hbm>> -> memref<1024xf32, #tpu.memory_space<hbm>>
      %dma_start3A_77 = arith.constant 0 : i32
      %dma_start3A_78 = tpu.memref_slice %arg5[%add3A, %dma_start3A_77] : memref<32x1024xf32, #tpu.memory_space<hbm>> -> memref<1x1024xf32, #tpu.memory_space<hbm>>
      %dma_start3A_79 = tpu.memref_squeeze %dma_start3A_78 : memref<1x1024xf32, #tpu.memory_space<hbm>> -> memref<1024xf32, #tpu.memory_space<hbm>>
      tpu.enqueue_dma source(%arg11 : memref<1024xf32, #tpu.memory_space<vmem>>) target(%dma_start3A_79 : memref<1024xf32, #tpu.memory_space<hbm>>) target_semaphore(%run_scoped3A : memref<!tpu.dma_semaphore, #tpu.memory_space<semaphore_mem>>)
      %dma_wait3A = arith.constant 0 : i32
      %dma_wait3A_80 = tpu.memref_slice %arg5[%add3A, %dma_wait3A] : memref<32x1024xf32, #tpu.memory_space<hbm>> -> memref<1x1024xf32, #tpu.memory_space<hbm>>
      %dma_wait3A_81 = tpu.memref_squeeze %dma_wait3A_80 : memref<1x1024xf32, #tpu.memory_space<hbm>> -> memref<1024xf32, #tpu.memory_space<hbm>>
      %dma_wait3A_82 = arith.constant 0 : i32
      %dma_wait3A_83 = tpu.memref_slice %arg5[%add3A, %dma_wait3A_82] : memref<32x1024xf32, #tpu.memory_space<hbm>> -> memref<1x1024xf32, #tpu.memory_space<hbm>>
      %dma_wait3A_84 = tpu.memref_squeeze %dma_wait3A_83 : memref<1x1024xf32, #tpu.memory_space<hbm>> -> memref<1024xf32, #tpu.memory_space<hbm>>
      tpu.wait_dma2 semaphore(%run_scoped3A : memref<!tpu.dma_semaphore, #tpu.memory_space<semaphore_mem>>) src(%arg11 : memref<1024xf32, #tpu.memory_space<vmem>>) dst(%dma_wait3A_84 : memref<1024xf32, #tpu.memory_space<hbm>>)
      tpu.yield
    }) : () -> ()
    return
  }
}

module attributes {stable_mosaic.version = 14 : i64} {
  func.func @_tc_combine_body(%arg0: memref<32x1024xf32, #tpu.memory_space<vmem>>, %arg1: memref<32x1024xf32, #tpu.memory_space<vmem>>, %arg2: memref<1x4xf32, #tpu.memory_space<vmem>>, %arg3: memref<1x1024xf32, #tpu.memory_space<vmem>>) attributes {dimension_semantics = [], scalar_prefetch = 0 : i64, scratch_operands = 0 : i64, tpu.core_type = #tpu.core_type<tc>} {
    %get3A = arith.constant 0 : index
    %get3A_0 = arith.constant 0 : index
    %get3A_1 = vector.load %arg0[%get3A, %get3A_0] : memref<32x1024xf32, #tpu.memory_space<vmem>>, vector<32x1024xf32>
    %reduce_sum3A = arith.constant dense<0.000000e+00> : vector<1024xf32>
    %reduce_sum3A_2 = vector.multi_reduction <add>, %get3A_1, %reduce_sum3A [0] : vector<32x1024xf32> to vector<1024xf32>
    %broadcast_in_dim3A = vector.shape_cast %reduce_sum3A_2 : vector<1024xf32> to vector<1x1024xf32>
    %get3A_3 = arith.constant 0 : index
    %get3A_4 = arith.constant 0 : index
    %get3A_5 = vector.load %arg1[%get3A_3, %get3A_4] : memref<32x1024xf32, #tpu.memory_space<vmem>>, vector<32x1024xf32>
    %reduce_sum3A_6 = arith.constant dense<0.000000e+00> : vector<1024xf32>
    %reduce_sum3A_7 = vector.multi_reduction <add>, %get3A_5, %reduce_sum3A_6 [0] : vector<32x1024xf32> to vector<1024xf32>
    %broadcast_in_dim3A_8 = vector.shape_cast %reduce_sum3A_7 : vector<1024xf32> to vector<1x1024xf32>
    %get3A_9 = arith.constant 0 : index
    %get3A_10 = arith.constant 0 : index
    %get3A_11 = vector.load %arg2[%get3A_9, %get3A_10] : memref<1x4xf32, #tpu.memory_space<vmem>>, vector<1x1xf32>
    %get3A_12 = vector.extract %get3A_11[0, 0] : f32 from vector<1x1xf32>
    %get3A_13 = arith.constant 0 : index
    %get3A_14 = arith.constant 1 : index
    %get3A_15 = vector.load %arg2[%get3A_13, %get3A_14] : memref<1x4xf32, #tpu.memory_space<vmem>>, vector<1x1xf32>
    %get3A_16 = vector.extract %get3A_15[0, 0] : f32 from vector<1x1xf32>
    %get3A_17 = arith.constant 0 : index
    %get3A_18 = arith.constant 2 : index
    %get3A_19 = vector.load %arg2[%get3A_17, %get3A_18] : memref<1x4xf32, #tpu.memory_space<vmem>>, vector<1x1xf32>
    %get3A_20 = vector.extract %get3A_19[0, 0] : f32 from vector<1x1xf32>
    %get3A_21 = arith.constant 0 : index
    %get3A_22 = arith.constant 3 : index
    %get3A_23 = vector.load %arg2[%get3A_21, %get3A_22] : memref<1x4xf32, #tpu.memory_space<vmem>>, vector<1x1xf32>
    %get3A_24 = vector.extract %get3A_23[0, 0] : f32 from vector<1x1xf32>
    %sub3A = arith.constant 1.000000e+00 : f32
    %sub3A_25 = vector.broadcast %sub3A : f32 to vector<1x1024xf32>
    %sub3A_26 = arith.subf %broadcast_in_dim3A_8, %sub3A_25 : vector<1x1024xf32>
    %mul3A = arith.constant 3.000000e+00 : f32
    %mul3A_27 = vector.broadcast %mul3A : f32 to vector<1x1024xf32>
    %mul3A_28 = arith.mulf %mul3A_27, %sub3A_26 : vector<1x1024xf32>
    %mul3A_29 = vector.broadcast %get3A_16 : f32 to vector<1x1024xf32>
    %mul3A_30 = arith.mulf %mul3A_28, %mul3A_29 : vector<1x1024xf32>
    %mul3A_31 = vector.broadcast %get3A_12 : f32 to vector<1x1024xf32>
    %mul3A_32 = arith.mulf %mul3A_28, %mul3A_31 : vector<1x1024xf32>
    %sub3A_33 = arith.subf %mul3A_30, %mul3A_28 : vector<1x1024xf32>
    %mul3A_34 = arith.constant 5.000000e-01 : f32
    %mul3A_35 = vector.broadcast %mul3A_34 : f32 to vector<1x1024xf32>
    %mul3A_36 = arith.mulf %mul3A_35, %sub3A_33 : vector<1x1024xf32>
    %add3A = arith.addf %mul3A_32, %mul3A_36 : vector<1x1024xf32>
    %mul3A_37 = vector.broadcast %get3A_20 : f32 to vector<1x1024xf32>
    %mul3A_38 = arith.mulf %mul3A_37, %broadcast_in_dim3A_8 : vector<1x1024xf32>
    %mul3A_39 = arith.mulf %add3A, %broadcast_in_dim3A_8 : vector<1x1024xf32>
    %add3A_40 = arith.addf %mul3A_38, %mul3A_39 : vector<1x1024xf32>
    %mul3A_41 = vector.broadcast %get3A_24 : f32 to vector<1x1024xf32>
    %mul3A_42 = arith.mulf %mul3A_41, %broadcast_in_dim3A : vector<1x1024xf32>
    %add3A_43 = arith.addf %add3A_40, %mul3A_42 : vector<1x1024xf32>
    %swap3A = arith.constant 0 : index
    %swap3A_44 = arith.constant 0 : index
    %swap3A_45 = vector.load %arg3[%swap3A, %swap3A_44] : memref<1x1024xf32, #tpu.memory_space<vmem>>, vector<1x1024xf32>
    tpu.vector_store %arg3[%swap3A, %swap3A_44], %add3A_43 {strides = array<i32>} : memref<1x1024xf32, #tpu.memory_space<vmem>>, vector<1x1024xf32>,
    return
  }
}

module attributes {stable_mosaic.version = 14 : i64} {
  func.func @_tc_sq_body(%arg0: i32, %arg1: memref<20x65536xf32, #tpu.memory_space<vmem>>, %arg2: memref<3x65536xf32, #tpu.memory_space<vmem>>, %arg3: memref<65536xf32, #tpu.memory_space<vmem>>) attributes {dimension_semantics = [#tpu.dimension_semantics<arbitrary>], iteration_bounds = array<i64: 4>, scalar_prefetch = 0 : i64, scratch_operands = 0 : i64, tpu.core_type = #tpu.core_type<tc>, window_params = [{transform_indices = @transform_0, window_bounds = array<i64: 20, 65536>}, {transform_indices = @transform_1, window_bounds = array<i64: 3, 65536>}, {transform_indices = @transform_2, window_bounds = array<i64: 65536>}]} {
    %get3A = arith.constant 0 : index
    %get3A_0 = arith.constant 0 : index
    %get3A_1 = vector.load %arg1[%get3A, %get3A_0] : memref<20x65536xf32, #tpu.memory_space<vmem>>, vector<20x65536xf32>
    %get3A_2 = arith.constant 0 : index
    %get3A_3 = arith.constant 0 : index
    %get3A_4 = vector.load %arg2[%get3A_2, %get3A_3] : memref<3x65536xf32, #tpu.memory_space<vmem>>, vector<3x65536xf32>
    %mul3A = arith.mulf %get3A_1, %get3A_1 : vector<20x65536xf32>
    %reduce_sum3A = arith.constant dense<0.000000e+00> : vector<65536xf32>
    %reduce_sum3A_5 = vector.multi_reduction <add>, %mul3A, %reduce_sum3A [0] : vector<20x65536xf32> to vector<65536xf32>
    %mul3A_6 = arith.mulf %get3A_4, %get3A_4 : vector<3x65536xf32>
    %reduce_sum3A_7 = arith.constant dense<0.000000e+00> : vector<65536xf32>
    %reduce_sum3A_8 = vector.multi_reduction <add>, %mul3A_6, %reduce_sum3A_7 [0] : vector<3x65536xf32> to vector<65536xf32>
    %add3A = arith.addf %reduce_sum3A_5, %reduce_sum3A_8 : vector<65536xf32>
    %swap3A = arith.constant 0 : index
    %swap3A_9 = vector.load %arg3[%swap3A] : memref<65536xf32, #tpu.memory_space<vmem>>, vector<65536xf32>
    tpu.vector_store %arg3[%swap3A], %add3A {strides = array<i32>} : memref<65536xf32, #tpu.memory_space<vmem>>, vector<65536xf32>,
    return
  }
  func.func @transform_0(%arg0: i32) -> (i32, i32) {
    %c0_i32 = arith.constant 0 : i32
    %c0_i32_0 = arith.constant 0 : i32
    return %c0_i32, %arg0 : i32, i32
  }
  func.func @transform_1(%arg0: i32) -> (i32, i32) {
    %c0_i32 = arith.constant 0 : i32
    %c0_i32_0 = arith.constant 0 : i32
    return %c0_i32, %arg0 : i32, i32
  }
  func.func @transform_2(%arg0: i32) -> i32 {
    %c0_i32 = arith.constant 0 : i32
    return %arg0 : i32
  }
}

</mosaic_0001>

<sc_bundles>
// kernel: kernel.5.cloned.1.call-start
scs
__scs_entry_jumppad:
0x0: {  	(pc) =	sbr.rel $0x88, $3  }
0x1: {  	(tag) =	ssettag $0x0;
	lr =	simm.s32 $0x1  }
0x2: {  	[smem:$0x3F9E] =	sst lr;
	_ =	strace $0xD0000000  }
0x3: {  	_ = 	snop  }
0x4: {  	_ = 	snop  }
0x5: {  	_ = 	snop  }
0x6: {  	_ = 	snop  }
0x7: {  	_ = 	snop  }
__scs_overlays_trampoline_lowered:
0x8: {  	[smem:$0x3FAD] =	sst s0  }
0x9: {  	[smem:$0x3FAE] =	sst s1  }
0xa: {  	[smem:$0x3FAF] =	sst s2  }
0xb: {  	[smem:$0x3FB0] =	sst s3  }
0xc: {  	[smem:$0x3FB1] =	sst s4  }
0xd: {  	[smem:$0x3FB2] =	sst s5  }
0xe: {  	[smem:$0x3FB3] =	sst s6  }
0xf: {  	[smem:$0x3FB4] =	sst s7  }
0x10: {  	[smem:$0x3FB5] =	sst s8  }
0x11: {  	[smem:$0x3FB6] =	sst s9;
	s0 =	simm.s32 @!p0 $0x0  }
0x12: {  	s1 =	sld [smem:$0x3F9C];
	s0 =	simm.s32 @p0 $0x1  }
0x13: {  	[smem:$0x3FB7] =	sst s0;
	s0 =	simm.s32 @!p1 $0x0  }
0x14: {  	s2 =	sld [smem:$0x3F9B];
	s0 =	simm.s32 @p1 $0x1  }
0x15: {  	[smem:$0x3FB8] =	sst s0;
	s0 =	simm.s32 @!p2 $0x0  }
0x16: {  	s3 =	sld [smem:$0x3FDB];
	s0 =	simm.s32 @p2 $0x1  }
0x17: {  	s4 =	simm.s32 $0x1BF5;
	[smem:$0x3FBA] =	sst s0  }
0x18: {  	s0 =	sld [smem:$0x3F9D];
	_ =	swait.ge [sflag:s4], $0x0  }
0x19: {  	s7 =	sld [smem:$0x3F9E]  }
0x1a: {  	s8 =	sadd.s32 $0xFFFFE003, lr  }
0x1b: {  	s9 =	sadd.s32 $0xFFFFFEF7, lr;
	s5 =	simm.s32 $0xFFFFFFFF;
	p2 =	slt.u32 s8, $0xFFFFF086  }
0x1c: {  	p1 =	slt.u32 s9, $0xF7A;
	s5 =	simm.s32 @!p2 $0x0  }
0x1d: {  	s5 =	simm.s32 @p1 $0x1;
	p0 =	seq.s32 s7, s2  }
0x1e: {  	s7 =	smul.u32 @!p0 $0xF7A, s2;
	p2 =	seq.s32 @!p0 s5, $0x0  }
0x1f: {  	s9 =	smul.u32 $0xF7A, s1;
	s8 =	simm.s32 @!p0 $0x1BF5;
	p2 =	por !p2, p0  }
0x20: {  	[sflag:s8] =	ssyncset.s32 @!p0 $0xFFFFF086;
	s6 =	sadd.s32 @!p0 s3, s7;
	s7 =	simm.s32 @!p0 $0x108  }
0x21: {  	s3 =	sadd.s32 s3, s9;
	s6 =	sadd.s32 @!p0 $0x88, s6;
	s7 =	simm.s32 @p2 $0x1082  }
0x22: {  	[simem:s7], [sflag:s8] =	dma.local @!p0 [hbm:s6], $0xF7A  }
0x23: {  	s9 =	sor.u32 $0xD0000000, s2;
	s6 =	simm.s32 $0x108;
	_ =	swait.ge @!p0 [sflag:s8], $0x0  }
0x24: {  	s3 =	sadd.s32 $0x88, s3;
	s6 =	simm.s32 @!p1 $0x1082;
	[sflag:s4] =	ssyncset.s32 $0xFFFFF086  }
0x25: {  	[simem:s6], [sflag:s4] =	dma.local [hbm:s3], $0xF7A  }
0x26: {  	[smem:$0x3F9E] =	sst s1;
	(tag) =	ssettag s2;
	_ =	strace s9  }
0x27: {  	s1 =	sld [smem:$0x3FAE]  }
0x28: {  	s2 =	sld [smem:$0x3FAF]  }
0x29: {  	s4 =	sld [smem:$0x3FB1]  }
0x2a: {  	p0 =	seq.s32 s5, $0x0;
	s5 =	sld [smem:$0x3FB2]  }
0x2b: {  	s6 =	sld [smem:$0x3FB3]  }
0x2c: {  	s7 =	sld [smem:$0x3FB4]  }
0x2d: {  	s3 =	simm.s32 $0x108;
	s8 =	sld [smem:$0x3FB5]  }
0x2e: {  	s3 =	simm.s32 @!p0 $0x1082;
	s9 =	sld [smem:$0x3FB6]  }
0x2f: {  	lr =	sadd.s32 s0, s3;
	s0 =	sld [smem:$0x3FAD]  }
0x30: {  	s3 =	sld [smem:$0x3FB0]  }
0x31: {  	[smem:$0x3FB9] =	sst s10  }
0x32: {  	s10 =	sld [smem:$0x3FB7];
	_ =	sdelay $0x3  }
0x33: {  	p0 =	seq.s32 s10, $0x1;
	s10 =	sld [smem:$0x3FB9];
	_ =	sdelay $0x3  }
0x34: {  	[smem:$0x3FB9] =	sst s10  }
0x35: {  	s10 =	sld [smem:$0x3FB8];
	_ =	sdelay $0x3  }
0x36: {  	p1 =	seq.s32 s10, $0x1;
	s10 =	sld [smem:$0x3FB9];
	_ =	sdelay $0x3  }
0x37: {  	[smem:$0x3FB9] =	sst s10  }
0x38: {  	s10 =	sld [smem:$0x3FBA]  }
0x39: {  	_ = 	snop;
	(pc) =	sbr.ind lr, $3  }
0x3a: {  	_ = 	snop  }
0x3b: {  	_ = 	snop  }
0x3c: {  	p2 =	seq.s32 s10, $0x1;
	s10 =	sld [smem:$0x3FB9]  }
0x3d: {  	_ =	shalt  }
0x3e: {  	_ =	shalt  }
0x3f: {  	_ =	shalt  }
0x40: {  	_ =	shalt  }
0x41: {  	_ =	shalt  }
0x42: {  	_ =	shalt  }
0x43: {  	_ =	shalt  }
0x44: {  	_ =	shalt  }
0x45: {  	_ =	shalt  }
0x46: {  	_ =	shalt  }
0x47: {  	_ =	shalt  }
0x48: {  	_ =	shalt  }
0x49: {  	_ =	shalt  }
0x4a: {  	_ =	shalt  }
0x4b: {  	_ =	shalt  }
0x4c: {  	_ =	shalt  }
0x4d: {  	_ =	shalt  }
0x4e: {  	_ =	shalt  }
0x4f: {  	_ =	shalt  }
0x50: {  	_ =	shalt  }
0x51: {  	_ =	shalt  }
0x52: {  	_ =	shalt  }
0x53: {  	_ =	shalt  }
0x54: {  	_ =	shalt  }
0x55: {  	_ =	shalt  }
0x56: {  	_ =	shalt  }
0x57: {  	_ =	shalt  }
0x58: {  	_ =	shalt  }
0x59: {  	_ =	shalt  }
0x5a: {  	_ =	shalt  }
0x5b: {  	_ =	shalt  }
0x5c: {  	_ =	shalt  }
0x5d: {  	_ =	shalt  }
0x5e: {  	_ =	shalt  }
0x5f: {  	_ =	shalt  }
0x60: {  	_ =	shalt  }
0x61: {  	_ =	shalt  }
0x62: {  	_ =	shalt  }
0x63: {  	_ =	shalt  }
0x64: {  	_ =	shalt  }
0x65: {  	_ =	shalt  }
0x66: {  	_ =	shalt  }
0x67: {  	_ =	shalt  }
0x68: {  	_ =	shalt  }
0x69: {  	_ =	shalt  }
0x6a: {  	_ =	shalt  }
0x6b: {  	_ =	shalt  }
0x6c: {  	_ =	shalt  }
0x6d: {  	_ =	shalt  }
0x6e: {  	_ =	shalt  }
0x6f: {  	_ =	shalt  }
0x70: {  	_ =	shalt  }
0x71: {  	_ =	shalt  }
0x72: {  	_ =	shalt  }
0x73: {  	_ =	shalt  }
0x74: {  	_ =	shalt  }
0x75: {  	_ =	shalt  }
0x76: {  	_ =	shalt  }
0x77: {  	_ =	shalt  }
0x78: {  	_ =	shalt  }
0x79: {  	_ =	shalt  }
0x7a: {  	_ =	shalt  }
0x7b: {  	_ =	shalt  }
0x7c: {  	_ =	shalt  }
0x7d: {  	_ =	shalt  }
0x7e: {  	_ =	shalt  }
0x7f: {  	_ =	shalt  }
0x80: {  	_ =	shalt  }
0x81: {  	_ =	shalt  }
0x82: {  	_ =	shalt  }
0x83: {  	_ =	shalt  }
0x84: {  	_ =	shalt  }
0x85: {  	_ =	shalt  }
0x86: {  	_ =	shalt  }
0x87: {  	_ =	shalt  }
.Lfunc_end0:
.L_simem_size_0:
called_computation_lowered:
.L_overlay_start_0:
0x88: {  	s2 =	sld [smem:$0x3FD9]  }
0x89: {  	s3 =	sld [smem:$0x3FFE];
	_ =	sdelay $0x1  }
0x8a: {  	s1 =	srdreg.scid  }
0x8b: {  	s0 =	sand.u32 $0x1, s1  }
0x8c: {  	s17 =	sshll.u32 s0, $0xA;
	s2 =	sadd.s32 s3, s2  }
0x8d: {  	s2 =	sadd.s32 s2, s17  }
0x8e: {  	[smem:$0x3FC5] =	sst s2  }
0x8f: {  	_ = 	snop  }
0x90: {  	s2 =	sld [smem:$0x3FC7];
	(tm) =	ssettm $0x1  }
0x91: {  	s18 =	sld [smem:$0x3FFB];
	_ =	sdelay $0x3  }
0x92: {  	_ =	strace s18  }
0x93: {  	s3 =	sld [smem:$0x3FFC];
	_ =	sdelay $0x3  }
0x94: {  	_ =	strace s3  }
0x95: {  	s3 =	sld [smem:$0x3FFD];
	_ =	sdelay $0x3  }
0x96: {  	_ =	strace s3  }
0x97: {  	_ =	strace $0x8FFFFFFF  }
0x98: {  	s19 =	sld [smem:$0x3FDB];
	_ =	sdelay $0x1  }
0x99: {  	s4 =	simm.s32 $_scs_section_size  }
0x9a: {  	s5 =	simm.s32 $_size__tile_overlayer_lowered;
	s6 =	simm.s32 $_tile_overlayer_lowered  }
0x9b: {  	s22 =	simm.s32 $0x1BFF;
	s21 =	sshll.u32 s6, $0x1;
	s3 =	sadd.s32 s4, s19  }
0x9c: {  	s7 =	simm.s32 $0x0;
	s20 =	sshll.u32 s5, $0x1;
	s5 =	sadd.s32 s21, s3  }
0x9d: {  	[timem:s7], [sflag:s22] =	dma.local [hbm:s5], s20  }
0x9e: {  	_ =	swait.ge [sflag:s22], s20  }
0x9f: {  	s4 =	ssub.s32 $0x0, s20;
	[sflag:s22] =	ssyncset.done $0x0  }
0xa0: {  	[sflag:s22] =	ssyncadd.s32 s4;
	_ =	sdelay $0x1  }
0xa1: {  	s23 =	simm.s32 $0x1B8B  }
0xa2: {  	_ =	swait.ge [sflag:s23], $0x1  }
0xa3: {  	[sflag:s23] =	ssyncset.done $0x0  }
0xa4: {  	s25 =	simm.s32 $0x1B8E;
	s24 =	sld [smem:$0x3FFE];
	[sflag:s23] =	ssyncadd.s32 $0xFFFFFFFF  }
0xa5: {  	s26 =	simm.s32 $execute0_lowered;
	[smem:$0x3FD2] =	sst s25  }
0xa6: {  	s5 =	sshll.u32 s26, $0x1;
	_ =	strace $0x80000046;
	[dreg:$0x1] =	wrdreg $0xFFFFFFFF  }
0xa7: {  	s28 =	simm.s32 $_size_execute0_lowered;
	s3 =	sadd.s32 s3, s5;
	[dreg:$0x0] =	wrdreg $0x0  }
0xa8: {  	s5 =	sshll.u32 s28, $0x1;
	[dreg:$0x2] =	wrdreg s3  }
0xa9: {  	[dreg:$0x3] =	wrdreg s5  }
0xaa: {  	[dreg:$0x4] =	wrdreg $0xC0  }
0xab: {  	_ =	task [dreg:s7], $0x5FFFF  }
0xac: {  	[dreg:$0x1] =	wrdreg $0xFFFFFFFF  }
0xad: {  	[dreg:$0x0] =	wrdreg $0x60  }
0xae: {  	[dreg:$0x2] =	wrdreg s24  }
0xaf: {  	[dreg:$0x3] =	wrdreg s2  }
0xb0: {  	[dreg:$0x4] =	wrdreg $0x9  }
0xb1: {  	_ =	task.clear_ibuf [dreg:s7], $0x5FFFF;
	_ =	strace $0x90000046  }
0xb2: {  	s29 =	simm.s32 $0x9;
	_ =	strace $0x80000048  }
0xb3: {  	_ =	swait.ge [sflag:s29], $0x1  }
0xb4: {  	[sflag:s29] =	ssyncadd.s32 $0xFFFFFFFF  }
0xb5: {  	_ =	strace $0x90000048  }
0xb6: {  	_ =	sfence  }
0xb7: {  	s30 =	sld [smem:$0x0];
	_ =	sdelay $0x2  }
0xb8: {  	s31 =	sshll.u32 s1, $0xD;
	s1 =	sshrl.u32 s1, $0x2  }
0xb9: {  	s3 =	sand.u32 $0x4000, s31;
	s1 =	sadd.s32 s1, s30  }
0xba: {  	s0 =	sor.u32 s3, s0;
	s1 =	sshll.u32 s1, $0x11  }
0xbb: {  	s0 =	sor.u32 s1, s0  }
0xbc: {  	s0 =	sadd.s32 $0x8F2B, s0  }
0xbd: {  	[sflag:s0] =	ssyncadd.remote.s32 $0x1  }
0xbe: {  	_ =	sfence.sel $0xFFFF  }
0xbf: {  	[dreg:$0x0] =	wrdreg $0xFFFFFFFF;
	(pc) =	sbr.abs _section_cstart, $3  }
0xc0: {  	[dreg:$0x1] =	wrdreg $0xFFFFFFFF  }
0xc1: {  	_ =	task.clear_ibuf [dreg:s7], $0x2FFFF;
	_ =	strace $0x9FFFFFFF  }
0xc2: {  	(tm) =	ssettm $0x7FFFFFFF  }
0xc3: {  	_ =	shalt  }
tec
execute0_lowered:
.L_overlay_start_1:
0x0: {  	(tag) =	ssettag $0x1  }
0x1: {  	s1 =	srdreg.scid  }
0x2: {  	s0 =	stileid.u32;
	s4 =	rddreg [dreg:$0x0]  }
0x3: {  	s5 =	rddreg [dreg:$0x1];
	s2 =	simm.s32 $0x0;
	s10 =	simm.s32 $0x4000  }
0x4: {  	s11 =	simm.s32 $0x8000;
	s12 =	simm.s32 $0x80;
	s13 =	simm.s32 $0x400  }
0x5: {  	s14 =	simm.s32 $0xC000;
	s3 =	sand.u32 $0x1, s1;
	s30 =	sshll.u32 s0, $0x1  }
0x6: {  	s15 =	simm.s32 $0xC400;
	s16 =	simm.s32 $0x0;
	s1 =	sor.u32 s3, s30  }
0x7: {  	[smem:$0x7FF] =	sst s2;
	s6 =	sshll.u32 s1, $0xA;
	s7 =	sshll.u32 s1, $0x7  }
0x8: {  	s3 =	ssub.s32 $0x2, s3;
	s1 =	rddreg [dreg:$0x2];
	s7 =	sor.u32 s7, s6  }
.Ltmp0:
0x9: {  	_ =	strace $0x80000047;
	s7 =	sand.u32 $0x6380, s7;
	(pc) =	sbr.rel .LBB2_1-.Ltmp0, $4  }
0xa: {  	s31 =	sshrl.u32 s3, $0x1;
	s8 =	sadd.s32 s6, s4;
	s7 =	sshrl.u32 s7, $0x3  }
0xb: {  	s9 =	ssub.s32 s3, s31;
	s3 =	sadd.s32 $0x1200, s8;
	s7 =	sadd.s32 s7, s4  }
0xc: {  	v1 =	vlaneseq.u32;
	s8 =	simm.s32 $0x1;
	s4 =	sadd.s32 s5, s6;
	s5 =	sadd.s32 $0x9200, s7  }
0xd: {  	v0 =	vimm.f32 $0.0e+00;
	v2 =	vimm.f32 $1.000000000e+00;
	v1 =	vmul.u32 $0x400, v1;
	s6 =	sadd.s32 $0xA200, s7;
	s7 =	smax.u32 s9, $0x1;
	s9 =	simm.s32 $0x2000  }
.LBB2_16:
0xe: {  	[hbm4b:s5+s12] =	stream.strided.scatter [tilespmem:s14], [sflag:$0x1], $0x400, s13, s12, $0x38;
	[tilespmem:$0xC800] =	vst v63  }
0xf: {  	s16 =	sadd.s32 $0x1, s16;
	_ =	swait.ge [sflag:s8], $0x400  }
0x10: {  	p0 =	sne.s32 s16, s7;
	[sflag:s8] =	ssyncset.done $0x0  }
.Ltmp1:
0x11: {  	[sflag:s8] =	ssyncadd.s32 $0xFFFFFC00;
	(pc) =	sbr.rel @!p0 .LBB2_17-.Ltmp1, $4  }
0x12: {  	[hbm4b:s6+s12] =	stream.strided.scatter [tilespmem:s15], [sflag:$0x1], $0x400, s13, s12, $0x38;
	[tilespmem:$0xC800] =	vst v63  }
0x13: {  	_ =	swait.ge [sflag:s8], $0x400  }
0x14: {  	[sflag:s8] =	ssyncset.done $0x0  }
0x15: {  	[sflag:s8] =	ssyncadd.s32 $0xFFFFFC00  }
.LBB2_1:
0x16: {  	[tilespmem:s2], [sflag:$0x1] =	stream.linear.gather [hbm4b:s3+s2], $0x2000, $0x38;
	[tilespmem:$0xC800] =	vst v63  }
0x17: {  	_ =	swait.ge [sflag:s8], $0x2000  }
0x18: {  	[sflag:s8] =	ssyncset.done $0x0  }
0x19: {  	[sflag:s8] =	ssyncadd.s32 $0xFFFFE000  }
0x1a: {  	[tilespmem:s9], [sflag:$0x1] =	stream.linear.gather [hbm4b:s4+s2], $0x2000, $0x38;
	[tilespmem:$0xC800] =	vst v63  }
0x1b: {  	_ =	swait.ge [sflag:s8], $0x2000  }
0x1c: {  	[sflag:s8] =	ssyncset.done $0x0  }
0x1d: {  	[sflag:s8] =	ssyncadd.s32 $0xFFFFE000  }
0x1e: {  	v3 =	vld [tilespmem:$0x2000];
	_ =	sdelay $0x1  }
0x1f: {  	v4 =	vld [tilespmem:$0x3FF0];
	_ =	sdelay $0x2  }
0x20: {  	v3 =	vxor.u32 $0x80000000, v3  }
0x21: {  	(xrf0) =	vmin.scan.msk.u32 $0xffff, v3  }
0x22: {  	v3 =	vxor.u32 $0x80000000, v4  }
0x23: {  	(xrf0) =	vmax.scan.msk.u32 $0xffff, v3;
	_ =	sdelay $0x3  }
0x24: {  	v3, _, _ =	vpop (xrf0)  }
0x25: {  	(v2sf) =	vpush v3, $0xF  }
0x26: {  	v3, _, _ =	vpop (xrf0)  }
0x27: {  	(v2sf) =	vpush v3, $0xF;
	_ =	sdelay $0xc  }
0x28: {  	s17 =	spop (v2sf)  }
0x29: {  	s21 =	simm.s32 $0x1;
	s18 =	sxor.u32 $0x80000000, s17  }
0x2a: {  	s19 =	spop (v2sf);
	p1 =	sgt.s32 s17, $0xFFFFFFFF;
	s17 =	sand.u32 $0xF, s17  }
0x2b: {  	p0 =	slt.s32 s18, $0x1;
	s20 =	sshra.s32 s18, $0x1F;
	p4 =	sne.s32 s17, $0x0  }
0x2c: {  	s28 =	sxor.u32 $0x80000000, s19;
	p2 =	sgt.s32 s19, $0xFFFFFFFF;
	s19 =	sand.u32 $0xF, s19  }
0x2d: {  	p0 =	por p1, p0;
	s20 =	sshrl.u32 s20, $0x1C;
	p5 =	slt.s32 s28, $0x1  }
0x2e: {  	p6 =	sne.s32 s19, $0x0;
	s30 =	sshra.s32 s28, $0x1F;
	p0 =	por !p4, !p0  }
0x2f: {  	s18 =	sadd.s32 s20, s18;
	p1 =	por p2, p5;
	s20 =	simm.s32 $0x1  }
0x30: {  	p1 =	por !p6, !p1;
	s29 =	sshra.s32 s18, $0x4;
	s18 =	sshrl.u32 s30, $0x1C  }
0x31: {  	p0 =	por !p0, !p0;
	s17 =	sadd.s32 s18, s28;
	p1 =	por !p1, !p1  }
0x32: {  	s20 =	simm.s32 @!p0 $0x0;
	s18 =	sshra.s32 s17, $0x4;
	s21 =	simm.s32 @!p1 $0x0  }
0x33: {  	s23 =	ssub.s32 s29, s20;
	s17 =	ssub.s32 s18, s21  }
0x34: {  	s19 =	ssub.s32 s17, s23  }
0x35: {  	s22 =	sadd.s32 $0x1, s19  }
0x36: {  	s19 =	sshrl.u32 s22, $0x1F  }
0x37: {  	s19 =	sadd.s32 s19, s22  }
0x38: {  	s25 =	sand.u32 $0xFFFFFFFE, s19  }
0x39: {  	p0 =	slt.s32 s25, $0x1  }
.Ltmp2:
0x3a: {  	_ = 	snop;
	(pc) =	sbr.rel @p0 .LBB2_4-.Ltmp2, $3  }
0x3b: {  	_ =	sdelay $0x1  }
0x3c: {  	s31 =	sshll.u32 s23, $0x6  }
0x3d: {  	s20 =	sshll.u32 s23, $0x4;
	s24 =	sshra.s32 s31, $0x2;
	s19 =	sadd.s32 s23, s25  }
0x3e: {  	s29 =	sadd.s32 $0x6010, s24  }
0x3f: {  	[tilespmem:s29+$0xFFFFDFF0] =	vst v0  }
0x40: {  	s26 =	sadd.s32 $0xA010, s24;
	[tilespmem:s29+$0xFFFFE000] =	vst v0  }
0x41: {  	s21 =	sshll.u32 s23, $0x4;
	[tilespmem:s26+$0xFFFFDFF0] =	vst v0  }
0x42: {  	s28 =	sand.u32 $0xFFFFFFF0, s21;
	[tilespmem:s26+$0xFFFFE000] =	vst v0  }
0x43: {  	[tilespmem:s28+$0xBC00] =	vst v0  }
0x44: {  	[tilespmem:s28+$0x4400] =	vst v0  }
0x45: {  	[tilespmem:s28+$0x8400] =	vst v0  }
0x46: {  	[tilespmem:s28+$0x4800] =	vst v0  }
0x47: {  	[tilespmem:s28+$0x8800] =	vst v0  }
0x48: {  	[tilespmem:s28+$0x4C00] =	vst v0  }
0x49: {  	[tilespmem:s28+$0x8C00] =	vst v0  }
0x4a: {  	[tilespmem:s28+$0x5000] =	vst v0  }
0x4b: {  	[tilespmem:s28+$0x9000] =	vst v0  }
0x4c: {  	[tilespmem:s28+$0x5400] =	vst v0  }
0x4d: {  	[tilespmem:s28+$0x9400] =	vst v0  }
0x4e: {  	[tilespmem:s28+$0x5800] =	vst v0  }
0x4f: {  	[tilespmem:s28+$0x9800] =	vst v0  }
0x50: {  	[tilespmem:s28+$0x5C00] =	vst v0  }
0x51: {  	[tilespmem:s28+$0x9C00] =	vst v0  }
0x52: {  	[tilespmem:s28+$0x6000] =	vst v0  }
0x53: {  	[tilespmem:s28+$0xA000] =	vst v0  }
0x54: {  	[tilespmem:s28+$0x6400] =	vst v0  }
0x55: {  	[tilespmem:s28+$0xA400] =	vst v0  }
0x56: {  	[tilespmem:s28+$0x6800] =	vst v0  }
0x57: {  	[tilespmem:s28+$0xA800] =	vst v0  }
0x58: {  	[tilespmem:s28+$0x6C00] =	vst v0  }
0x59: {  	[tilespmem:s28+$0xAC00] =	vst v0  }
0x5a: {  	[tilespmem:s28+$0x7000] =	vst v0  }
0x5b: {  	[tilespmem:s28+$0xB000] =	vst v0  }
0x5c: {  	[tilespmem:s28+$0x7400] =	vst v0  }
0x5d: {  	[tilespmem:s28+$0xB400] =	vst v0  }
0x5e: {  	[tilespmem:s28+$0x7800] =	vst v0  }
0x5f: {  	[tilespmem:s28+$0xB800] =	vst v0  }
0x60: {  	[tilespmem:s28+$0x7C00] =	vst v0  }
0x61: {  	[tilespmem:s29+$0xFFFFE400] =	vst v0  }
0x62: {  	[tilespmem:s26+$0xFFFFE400] =	vst v0  }
0x63: {  	[tilespmem:s29+$0xFFFFE800] =	vst v0  }
0x64: {  	[tilespmem:s26+$0xFFFFE800] =	vst v0  }
0x65: {  	[tilespmem:s29+$0xFFFFEC00] =	vst v0  }
0x66: {  	[tilespmem:s26+$0xFFFFEC00] =	vst v0  }
0x67: {  	[tilespmem:s29+$0xFFFFF000] =	vst v0  }
0x68: {  	[tilespmem:s26+$0xFFFFF000] =	vst v0  }
0x69: {  	[tilespmem:s29+$0xFFFFF400] =	vst v0  }
0x6a: {  	[tilespmem:s26+$0xFFFFF400] =	vst v0  }
0x6b: {  	[tilespmem:s29+$0xFFFFF800] =	vst v0  }
0x6c: {  	[tilespmem:s26+$0xFFFFF800] =	vst v0  }
0x6d: {  	[tilespmem:s29+$0xFFFFFC00] =	vst v0  }
0x6e: {  	[tilespmem:s26+$0xFFFFFC00] =	vst v0  }
0x6f: {  	[tilespmem:s29+$0x0] =	vst v0  }
0x70: {  	[tilespmem:s26+$0x0] =	vst v0  }
0x71: {  	[tilespmem:s29+$0x400] =	vst v0  }
0x72: {  	[tilespmem:s26+$0x400] =	vst v0  }
0x73: {  	[tilespmem:s29+$0x800] =	vst v0  }
0x74: {  	[tilespmem:s26+$0x800] =	vst v0  }
0x75: {  	[tilespmem:s29+$0xC00] =	vst v0  }
0x76: {  	[tilespmem:s26+$0xC00] =	vst v0  }
0x77: {  	[tilespmem:s29+$0x1000] =	vst v0  }
0x78: {  	s28 =	sadd.s32 $0x2, s23;
	[tilespmem:s26+$0x1000] =	vst v0  }
0x79: {  	p2 =	slt.s32 s28, s19;
	[tilespmem:s29+$0x1400] =	vst v0  }
.Ltmp3:
0x7a: {  	[tilespmem:s26+$0x1400] =	vst v0;
	(pc) =	sbr.rel @!p2 .LBB2_4-.Ltmp3, $4  }
0x7b: {  	[tilespmem:s29+$0x1800] =	vst v0  }
0x7c: {  	[tilespmem:s26+$0x1800] =	vst v0  }
0x7d: {  	[tilespmem:s29+$0x1C00] =	vst v0  }
0x7e: {  	s29 =	sadd.s32 $0x20, s29;
	[tilespmem:s26+$0x1C00] =	vst v0  }
.LBB2_3:
0x7f: {  	[tilespmem:s29+$0xFFFFDFF0] =	vst v0;
	s21 =	sadd.s32 $0x20, s21;
	s26 =	sadd.s32 $0x20, s26  }
0x80: {  	s28 =	sadd.s32 $0x2, s28;
	[tilespmem:s26+$0xFFFFDFF0] =	vst v0;
	s30 =	sand.u32 $0xFFFFFFF0, s21  }
0x81: {  	p2 =	slt.s32 s28, s19;
	[tilespmem:s30+$0xBC00] =	vst v0  }
0x82: {  	[tilespmem:s30+$0x4400] =	vst v0  }
0x83: {  	[tilespmem:s30+$0x8400] =	vst v0  }
0x84: {  	[tilespmem:s30+$0x4800] =	vst v0  }
0x85: {  	[tilespmem:s30+$0x8800] =	vst v0  }
0x86: {  	[tilespmem:s30+$0x4C00] =	vst v0  }
0x87: {  	[tilespmem:s30+$0x8C00] =	vst v0  }
0x88: {  	[tilespmem:s30+$0x5000] =	vst v0  }
0x89: {  	[tilespmem:s30+$0x9000] =	vst v0  }
0x8a: {  	[tilespmem:s30+$0x5400] =	vst v0  }
0x8b: {  	[tilespmem:s30+$0x9400] =	vst v0  }
0x8c: {  	[tilespmem:s30+$0x5800] =	vst v0  }
0x8d: {  	[tilespmem:s30+$0x9800] =	vst v0  }
0x8e: {  	[tilespmem:s30+$0x5C00] =	vst v0  }
0x8f: {  	[tilespmem:s30+$0x9C00] =	vst v0  }
0x90: {  	[tilespmem:s30+$0x6000] =	vst v0  }
0x91: {  	[tilespmem:s30+$0xA000] =	vst v0  }
0x92: {  	[tilespmem:s30+$0x6400] =	vst v0  }
0x93: {  	[tilespmem:s30+$0xA400] =	vst v0  }
0x94: {  	[tilespmem:s30+$0x6800] =	vst v0  }
0x95: {  	[tilespmem:s30+$0xA800] =	vst v0  }
0x96: {  	[tilespmem:s30+$0x6C00] =	vst v0  }
0x97: {  	[tilespmem:s30+$0xAC00] =	vst v0  }
0x98: {  	[tilespmem:s30+$0x7000] =	vst v0  }
0x99: {  	[tilespmem:s30+$0xB000] =	vst v0  }
0x9a: {  	[tilespmem:s30+$0x7400] =	vst v0  }
0x9b: {  	[tilespmem:s30+$0xB400] =	vst v0  }
0x9c: {  	[tilespmem:s30+$0x7800] =	vst v0  }
0x9d: {  	[tilespmem:s30+$0xB800] =	vst v0  }
0x9e: {  	[tilespmem:s30+$0x7C00] =	vst v0  }
0x9f: {  	[tilespmem:s29+$0xFFFFE000] =	vst v0  }
0xa0: {  	[tilespmem:s26+$0xFFFFE000] =	vst v0  }
0xa1: {  	[tilespmem:s29+$0xFFFFE400] =	vst v0  }
0xa2: {  	[tilespmem:s26+$0xFFFFE400] =	vst v0  }
0xa3: {  	[tilespmem:s29+$0xFFFFE800] =	vst v0  }
0xa4: {  	[tilespmem:s26+$0xFFFFE800] =	vst v0  }
0xa5: {  	[tilespmem:s29+$0xFFFFEC00] =	vst v0  }
0xa6: {  	[tilespmem:s26+$0xFFFFEC00] =	vst v0  }
0xa7: {  	[tilespmem:s29+$0xFFFFF000] =	vst v0  }
0xa8: {  	[tilespmem:s26+$0xFFFFF000] =	vst v0  }
0xa9: {  	[tilespmem:s29+$0xFFFFF400] =	vst v0  }
0xaa: {  	[tilespmem:s26+$0xFFFFF400] =	vst v0  }
0xab: {  	[tilespmem:s29+$0xFFFFF800] =	vst v0  }
0xac: {  	[tilespmem:s26+$0xFFFFF800] =	vst v0  }
0xad: {  	[tilespmem:s29+$0xFFFFFC00] =	vst v0  }
0xae: {  	[tilespmem:s26+$0xFFFFFC00] =	vst v0  }
0xaf: {  	[tilespmem:s29+$0x0] =	vst v0  }
0xb0: {  	[tilespmem:s26+$0x0] =	vst v0  }
0xb1: {  	[tilespmem:s29+$0x400] =	vst v0  }
0xb2: {  	[tilespmem:s26+$0x400] =	vst v0  }
0xb3: {  	[tilespmem:s29+$0x800] =	vst v0  }
0xb4: {  	[tilespmem:s26+$0x800] =	vst v0  }
0xb5: {  	[tilespmem:s29+$0xC00] =	vst v0  }
0xb6: {  	[tilespmem:s26+$0xC00] =	vst v0  }
0xb7: {  	[tilespmem:s29+$0x1000] =	vst v0  }
0xb8: {  	[tilespmem:s26+$0x1000] =	vst v0  }
0xb9: {  	[tilespmem:s29+$0x1400] =	vst v0  }
.Ltmp4:
0xba: {  	[tilespmem:s26+$0x1400] =	vst v0;
	(pc) =	sbr.rel @p2 .LBB2_3-.Ltmp4, $4  }
0xbb: {  	[tilespmem:s29+$0x1800] =	vst v0  }
0xbc: {  	[tilespmem:s26+$0x1800] =	vst v0  }
0xbd: {  	[tilespmem:s29+$0x1C00] =	vst v0  }
0xbe: {  	s29 =	sadd.s32 $0x20, s29;
	[tilespmem:s26+$0x1C00] =	vst v0  }
.LBB2_4:
0xbf: {  	p2 =	sle.s32 s19, s17  }
.Ltmp5:
0xc0: {  	_ = 	snop;
	(pc) =	sbr.rel @!p2 .LBB2_5-.Ltmp5, $3  }
0xc1: {  	_ =	sdelay $0x1  }
0xc2: {  	s21 =	simm.s32 $0xFFFFFFFF  }
0xc3: {  	s22 =	ssub.s32 s22, s25;
	s21 =	simm.s32 @!p1 $0x0  }
0xc4: {  	s25 =	sshll.u32 s17, $0x6;
	s26 =	sshll.u32 s22, $0x6  }
0xc5: {  	s28 =	sadd.s32 s21, s18;
	s26 =	ssub.s32 s25, s26  }
0xc6: {  	s25 =	ssub.s32 s28, s22;
	s29 =	sshra.s32 s26, $0x2  }
0xc7: {  	s26 =	sshll.u32 s19, $0x4;
	s28 =	sadd.s32 $0x4010, s29;
	s29 =	sadd.s32 $0x8010, s29  }
.LBB2_19:
0xc8: {  	[tilespmem:s28+$0x0] =	vst v0  }
0xc9: {  	s30 =	sand.u32 $0xFFFFFFF0, s26;
	[tilespmem:s29+$0x0] =	vst v0  }
0xca: {  	[tilespmem:s30+$0x4400] =	vst v0  }
0xcb: {  	[tilespmem:s30+$0x8400] =	vst v0  }
0xcc: {  	[tilespmem:s30+$0x4800] =	vst v0  }
0xcd: {  	[tilespmem:s30+$0x8800] =	vst v0  }
0xce: {  	[tilespmem:s30+$0x4C00] =	vst v0  }
0xcf: {  	[tilespmem:s30+$0x8C00] =	vst v0  }
0xd0: {  	[tilespmem:s30+$0x5000] =	vst v0  }
0xd1: {  	[tilespmem:s30+$0x9000] =	vst v0  }
0xd2: {  	[tilespmem:s30+$0x5400] =	vst v0  }
0xd3: {  	[tilespmem:s30+$0x9400] =	vst v0  }
0xd4: {  	[tilespmem:s30+$0x5800] =	vst v0  }
0xd5: {  	[tilespmem:s30+$0x9800] =	vst v0  }
0xd6: {  	[tilespmem:s30+$0x5C00] =	vst v0  }
0xd7: {  	[tilespmem:s30+$0x9C00] =	vst v0  }
0xd8: {  	[tilespmem:s30+$0x6000] =	vst v0  }
0xd9: {  	[tilespmem:s30+$0xA000] =	vst v0  }
0xda: {  	[tilespmem:s30+$0x6400] =	vst v0  }
0xdb: {  	[tilespmem:s30+$0xA400] =	vst v0  }
0xdc: {  	[tilespmem:s30+$0x6800] =	vst v0  }
0xdd: {  	[tilespmem:s30+$0xA800] =	vst v0  }
0xde: {  	[tilespmem:s30+$0x6C00] =	vst v0  }
0xdf: {  	[tilespmem:s30+$0xAC00] =	vst v0  }
0xe0: {  	[tilespmem:s30+$0x7000] =	vst v0  }
0xe1: {  	s25 =	sadd.s32 $0x1, s25;
	[tilespmem:s30+$0xB000] =	vst v0  }
0xe2: {  	p1 =	slt.s32 s25, s17;
	[tilespmem:s30+$0x7400] =	vst v0  }
.Ltmp6:
0xe3: {  	[tilespmem:s30+$0xB400] =	vst v0;
	(pc) =	sbr.rel @p1 .LBB2_19-.Ltmp6, $4  }
0xe4: {  	[tilespmem:s30+$0x7800] =	vst v0  }
0xe5: {  	[tilespmem:s30+$0xB800] =	vst v0  }
0xe6: {  	[tilespmem:s30+$0x7C00] =	vst v0  }
0xe7: {  	s26 =	sadd.s32 $0x10, s26;
	s28 =	sadd.s32 $0x10, s28;
	s29 =	sadd.s32 $0x10, s29;
	[tilespmem:s30+$0xBC00] =	vst v0  }
.LBB2_5:
0xe8: {  	s28 =	simm.s32 $0xC040  }
0xe9: {  	[tilespmem:s28+$0x30] =	vst v0  }
0xea: {  	[tilespmem:s28+$0xFFFFFFF0] =	vst v0  }
0xeb: {  	[tilespmem:s28+$0xFFFFFFC0] =	vst v0  }
0xec: {  	[tilespmem:s28+$0xFFFFFFE0] =	vst v0  }
0xed: {  	[tilespmem:s28+$0x10] =	vst v0  }
0xee: {  	[tilespmem:s28+$0x20] =	vst v0  }
0xef: {  	[tilespmem:s28+$0x0] =	vst v0  }
0xf0: {  	s26 =	simm.s32 $0xC440;
	[tilespmem:s28+$0xFFFFFFD0] =	vst v0  }
0xf1: {  	[tilespmem:s26+$0xFFFFFFC0] =	vst v0  }
0xf2: {  	[tilespmem:s26+$0x30] =	vst v0  }
0xf3: {  	[tilespmem:s26+$0x20] =	vst v0  }
0xf4: {  	[tilespmem:s26+$0x10] =	vst v0  }
0xf5: {  	[tilespmem:s26+$0xFFFFFFE0] =	vst v0  }
0xf6: {  	[tilespmem:s26+$0x0] =	vst v0  }
0xf7: {  	s30 =	simm.s32 $0x0;
	s25 =	simm.s32 $0x40;
	s29 =	simm.s32 $0x2040;
	[tilespmem:s26+$0xFFFFFFF0] =	vst v0  }
.LBB2_6:
0xf8: {  	s30 =	sadd.s32 $0x8, s30;
	[tilespmem:s26+$0xFFFFFFD0] =	vst v0;
	s28 =	sadd.s32 $0x80, s28;
	s26 =	sadd.s32 $0x80, s26  }
0xf9: {  	[tilespmem:s28+$0x30] =	vst v0;
	p1 =	slt.u32 s30, $0x38  }
0xfa: {  	[tilespmem:s28+$0xFFFFFFF0] =	vst v0  }
0xfb: {  	[tilespmem:s28+$0xFFFFFFC0] =	vst v0  }
0xfc: {  	[tilespmem:s26+$0xFFFFFFC0] =	vst v0  }
0xfd: {  	[tilespmem:s26+$0x30] =	vst v0  }
0xfe: {  	[tilespmem:s28+$0xFFFFFFE0] =	vst v0  }
0xff: {  	[tilespmem:s28+$0x10] =	vst v0  }
0x100: {  	[tilespmem:s28+$0x20] =	vst v0  }
0x101: {  	[tilespmem:s26+$0x20] =	vst v0  }
0x102: {  	[tilespmem:s26+$0x10] =	vst v0  }
.Ltmp7:
0x103: {  	[tilespmem:s26+$0xFFFFFFE0] =	vst v0;
	(pc) =	sbr.rel @p1 .LBB2_6-.Ltmp7, $4  }
0x104: {  	[tilespmem:s28+$0x0] =	vst v0  }
0x105: {  	[tilespmem:s26+$0x0] =	vst v0  }
0x106: {  	[tilespmem:s26+$0xFFFFFFF0] =	vst v0  }
0x107: {  	[tilespmem:s28+$0xFFFFFFD0] =	vst v0  }
0x108: {  	[tilespmem:s26+$0xFFFFFFD0] =	vst v0  }
0x109: {  	v3 =	vld [tilespmem:s29+$0x30]  }
0x10a: {  	v4 =	vld [tilespmem:s29+$0xFFFFFFC0]  }
0x10b: {  	v5 =	vld [tilespmem:s29+$0xFFFFFFD0]  }
0x10c: {  	v6 =	vld [tilespmem:s29+$0xFFFFFFE0]  }
0x10d: {  	v7 =	vld [tilespmem:s29+$0xFFFFFFF0]  }
0x10e: {  	v8 =	vld [tilespmem:s25+$0x30]  }
0x10f: {  	v9 =	vld [tilespmem:s29+$0x0]  }
0x110: {  	v10 =	vld [tilespmem:s29+$0x10]  }
0x111: {  	v11 =	vld [tilespmem:s29+$0x20]  }
0x112: {  	v12 =	vld [tilespmem:s25+$0xFFFFFFD0]  }
0x113: {  	v61 =	vld [tilespmem:s25+$0xFFFFFFF0];
	v3 =	vadd.s32 v1, v3  }
0x114: {  	v13 =	vld [tilespmem:s25+$0x0];
	v5 =	vadd.s32 v1, v5  }
0x115: {  	v16 =	vld [tilespmem:s25+$0xFFFFFFC0];
	v4 =	vadd.s32 v1, v4  }
0x116: {  	v14 =	vld [tilespmem:s25+$0x10];
	v7 =	vadd.s32 v1, v7  }
0x117: {  	v15 =	vld [tilespmem:s25+$0x20]  }
0x118: {  	[tilespmem:v3+s10+$0x0] =	vst.idx.add.f32.msk $0xffff, v8  }
0x119: {  	v62 =	vadd.s32 v1, v10;
	[tilespmem:v5+s10+$0x0] =	vst.idx.add.f32.msk $0xffff, v12  }
0x11a: {  	v63 =	vadd.s32 v1, v11;
	[tilespmem:v4+s10+$0x0] =	vst.idx.add.f32.msk $0xffff, v16  }
0x11b: {  	[tilespmem:v7+s10+$0x0] =	vst.idx.add.f32.msk $0xffff, v61  }
0x11c: {  	[tilespmem:v3+s11+$0x0] =	vst.idx.add.f32.msk $0xffff, v2  }
0x11d: {  	v6 =	vadd.s32 v1, v6;
	v3 =	vld [tilespmem:s25+$0xFFFFFFE0]  }
0x11e: {  	[tilespmem:v62+s10+$0x0] =	vst.idx.add.f32.msk $0xffff, v14  }
0x11f: {  	[tilespmem:v63+s10+$0x0] =	vst.idx.add.f32.msk $0xffff, v15  }
0x120: {  	[tilespmem:v5+s11+$0x0] =	vst.idx.add.f32.msk $0xffff, v2  }
0x121: {  	[tilespmem:v4+s11+$0x0] =	vst.idx.add.f32.msk $0xffff, v2  }
0x122: {  	[tilespmem:v6+s10+$0x0] =	vst.idx.add.f32.msk $0xffff, v3;
	v3 =	vadd.s32 v1, v9  }
0x123: {  	[tilespmem:v7+s11+$0x0] =	vst.idx.add.f32.msk $0xffff, v2  }
0x124: {  	[tilespmem:v62+s11+$0x0] =	vst.idx.add.f32.msk $0xffff, v2  }
0x125: {  	[tilespmem:v63+s11+$0x0] =	vst.idx.add.f32.msk $0xffff, v2  }
0x126: {  	[tilespmem:v6+s11+$0x0] =	vst.idx.add.f32.msk $0xffff, v2  }
0x127: {  	[tilespmem:v3+s10+$0x0] =	vst.idx.add.f32.msk $0xffff, v13  }
0x128: {  	s26 =	simm.s32 $0x0;
	s28 =	simm.s32 $0x20C0;
	[tilespmem:v3+s11+$0x0] =	vst.idx.add.f32.msk $0xffff, v2  }
.LBB2_8:
0x129: {  	v3 =	vld [tilespmem:s28+$0x30]  }
0x12a: {  	s26 =	sadd.s32 $0x8, s26;
	v4 =	vld [tilespmem:s28+$0xFFFFFFC0]  }
0x12b: {  	p1 =	slt.u32 s26, $0x1F8;
	v5 =	vld [tilespmem:s28+$0xFFFFFFD0]  }
0x12c: {  	v6 =	vld [tilespmem:s28+$0xFFFFFFE0]  }
0x12d: {  	s25 =	sadd.s32 $0x80, s25;
	v7 =	vld [tilespmem:s28+$0xFFFFFFF0]  }
0x12e: {  	v8 =	vld [tilespmem:s25+$0x30];
	v3 =	vadd.s32 v1, v3  }
0x12f: {  	v4 =	vadd.s32 v1, v4;
	v9 =	vld [tilespmem:s28+$0x0]  }
0x130: {  	v5 =	vadd.s32 v1, v5;
	v10 =	vld [tilespmem:s28+$0x10]  }
0x131: {  	v6 =	vadd.s32 v1, v6;
	v11 =	vld [tilespmem:s28+$0x20]  }
0x132: {  	v12 =	vld [tilespmem:s25+$0xFFFFFFD0];
	v7 =	vadd.s32 v1, v7  }
0x133: {  	[tilespmem:v3+s10+$0x0] =	vst.idx.add.f32.msk $0xffff, v8  }
0x134: {  	v8 =	vadd.s32 v1, v9;
	[tilespmem:v3+s11+$0x0] =	vst.idx.add.f32.msk $0xffff, v2  }
0x135: {  	v3 =	vld [tilespmem:s25+$0xFFFFFFE0];
	v9 =	vadd.s32 v1, v10  }
0x136: {  	v10 =	vld [tilespmem:s25+$0xFFFFFFF0];
	v11 =	vadd.s32 v1, v11  }
0x137: {  	v13 =	vld [tilespmem:s25+$0x0]  }
0x138: {  	v14 =	vld [tilespmem:s25+$0x10]  }
0x139: {  	v15 =	vld [tilespmem:s25+$0x20]  }
0x13a: {  	v16 =	vld [tilespmem:s25+$0xFFFFFFC0]  }
0x13b: {  	[tilespmem:v5+s10+$0x0] =	vst.idx.add.f32.msk $0xffff, v12  }
0x13c: {  	[tilespmem:v5+s11+$0x0] =	vst.idx.add.f32.msk $0xffff, v2  }
0x13d: {  	[tilespmem:v6+s10+$0x0] =	vst.idx.add.f32.msk $0xffff, v3  }
0x13e: {  	[tilespmem:v6+s11+$0x0] =	vst.idx.add.f32.msk $0xffff, v2  }
0x13f: {  	[tilespmem:v4+s10+$0x0] =	vst.idx.add.f32.msk $0xffff, v16  }
0x140: {  	[tilespmem:v4+s11+$0x0] =	vst.idx.add.f32.msk $0xffff, v2  }
0x141: {  	[tilespmem:v7+s10+$0x0] =	vst.idx.add.f32.msk $0xffff, v10  }
0x142: {  	[tilespmem:v7+s11+$0x0] =	vst.idx.add.f32.msk $0xffff, v2  }
0x143: {  	[tilespmem:v8+s10+$0x0] =	vst.idx.add.f32.msk $0xffff, v13  }
.Ltmp8:
0x144: {  	[tilespmem:v8+s11+$0x0] =	vst.idx.add.f32.msk $0xffff, v2;
	(pc) =	sbr.rel @p1 .LBB2_8-.Ltmp8, $4  }
0x145: {  	[tilespmem:v9+s10+$0x0] =	vst.idx.add.f32.msk $0xffff, v14  }
0x146: {  	[tilespmem:v9+s11+$0x0] =	vst.idx.add.f32.msk $0xffff, v2  }
0x147: {  	[tilespmem:v11+s10+$0x0] =	vst.idx.add.f32.msk $0xffff, v15  }
0x148: {  	s28 =	sadd.s32 $0x80, s28;
	[tilespmem:v11+s11+$0x0] =	vst.idx.add.f32.msk $0xffff, v2  }
.Ltmp9:
0x149: {  	(pc) =	sbr.rel @p0 .LBB2_13-.Ltmp9, $1  }
0x14a: {  	_ =	sdelay $0x3  }
0x14b: {  	s31 =	sadd.s32 $0x6010, s24  }
0x14c: {  	s28 =	sadd.s32 $0xA010, s24;
	v3 =	vld [tilespmem:s31+$0xFFFFE000]  }
0x14d: {  	v4 =	vld [tilespmem:s28+$0xFFFFE000]  }
0x14e: {  	v5 =	vld [tilespmem:s31+$0xFFFFE400]  }
0x14f: {  	v6 =	vld [tilespmem:s28+$0xFFFFE400]  }
0x150: {  	v7 =	vld [tilespmem:s31+$0xFFFFE800]  }
0x151: {  	v8 =	vld [tilespmem:s28+$0xFFFFE800]  }
0x152: {  	v9 =	vld [tilespmem:s31+$0xFFFFEC00]  }
0x153: {  	v10 =	vld [tilespmem:s28+$0xFFFFEC00]  }
0x154: {  	v11 =	vld [tilespmem:s31+$0xFFFFF000]  }
0x155: {  	v12 =	vld [tilespmem:s28+$0xFFFFF000]  }
0x156: {  	v13 =	vld [tilespmem:s31+$0xFFFFF400]  }
0x157: {  	v14 =	vld [tilespmem:s28+$0xFFFFF400]  }
0x158: {  	v15 =	vld [tilespmem:s31+$0xFFFFF800]  }
0x159: {  	v16 =	vld [tilespmem:s28+$0xFFFFF800]  }
0x15a: {  	v17 =	vld [tilespmem:s31+$0xFFFFFC00]  }
0x15b: {  	v18 =	vld [tilespmem:s28+$0xFFFFFC00]  }
0x15c: {  	v19 =	vld [tilespmem:s31+$0x0]  }
0x15d: {  	v20 =	vld [tilespmem:s28+$0x0]  }
0x15e: {  	v21 =	vld [tilespmem:s31+$0x400]  }
0x15f: {  	v22 =	vld [tilespmem:s28+$0x400]  }
0x160: {  	v23 =	vld [tilespmem:s31+$0x800]  }
0x161: {  	v24 =	vld [tilespmem:s28+$0x800]  }
0x162: {  	v25 =	vld [tilespmem:s31+$0xC00]  }
0x163: {  	v26 =	vld [tilespmem:s28+$0xC00]  }
0x164: {  	v27 =	vld [tilespmem:s31+$0x1000]  }
0x165: {  	v28 =	vld [tilespmem:s28+$0x1000]  }
0x166: {  	v29 =	vld [tilespmem:s31+$0x1400]  }
0x167: {  	v30 =	vld [tilespmem:s28+$0x1400]  }
0x168: {  	v31 =	vld [tilespmem:s31+$0x1800]  }
0x169: {  	v32 =	vld [tilespmem:s28+$0x1800];
	v3 =	vadd.f32 $0.0e+00, v3  }
0x16a: {  	v33 =	vld [tilespmem:s31+$0x1C00];
	v4 =	vadd.f32 $0.0e+00, v4  }
0x16b: {  	v34 =	vld [tilespmem:s28+$0x1C00];
	v3 =	vadd.f32 v5, v3  }
0x16c: {  	v4 =	vadd.f32 v6, v4;
	v5 =	vld [tilespmem:s28+$0xFFFFDFF0]  }
0x16d: {  	s29 =	sand.u32 $0xFFFFFFF0, s20;
	v6 =	vld [tilespmem:s31+$0xFFFFDFF0];
	v3 =	vadd.f32 v7, v3  }
0x16e: {  	v4 =	vadd.f32 v8, v4;
	v7 =	vld [tilespmem:s29+$0x8400]  }
0x16f: {  	v8 =	vld [tilespmem:s29+$0x4400];
	v3 =	vadd.f32 v9, v3  }
0x170: {  	v4 =	vadd.f32 v10, v4;
	v9 =	vld [tilespmem:s29+$0x8800]  }
0x171: {  	v10 =	vld [tilespmem:s29+$0x4800];
	v5 =	vadd.f32 $0.0e+00, v5;
	v3 =	vadd.f32 v11, v3  }
0x172: {  	v6 =	vadd.f32 $0.0e+00, v6;
	v4 =	vadd.f32 v12, v4;
	v11 =	vld [tilespmem:s29+$0x8C00]  }
0x173: {  	v5 =	vadd.f32 v7, v5;
	v7 =	vld [tilespmem:s29+$0x4C00];
	v3 =	vadd.f32 v13, v3  }
0x174: {  	v59 =	vld [tilespmem:s29+$0x9000];
	v6 =	vadd.f32 v8, v6;
	v4 =	vadd.f32 v14, v4  }
0x175: {  	v8 =	vld [tilespmem:s29+$0x5000];
	v5 =	vadd.f32 v9, v5;
	v3 =	vadd.f32 v15, v3  }
0x176: {  	v9 =	vld [tilespmem:s29+$0x9400];
	v6 =	vadd.f32 v10, v6;
	v4 =	vadd.f32 v16, v4  }
0x177: {  	v10 =	vld [tilespmem:s29+$0x5400];
	v5 =	vadd.f32 v11, v5;
	v3 =	vadd.f32 v17, v3  }
0x178: {  	v11 =	vld [tilespmem:s29+$0x9800];
	v4 =	vadd.f32 v18, v4;
	v6 =	vadd.f32 v7, v6  }
0x179: {  	v7 =	vld [tilespmem:s29+$0x5800];
	v5 =	vadd.f32 v59, v5;
	v3 =	vadd.f32 v19, v3  }
0x17a: {  	v60 =	vld [tilespmem:s29+$0x9C00];
	v4 =	vadd.f32 v20, v4;
	v6 =	vadd.f32 v8, v6  }
0x17b: {  	v8 =	vld [tilespmem:s29+$0x5C00];
	v5 =	vadd.f32 v9, v5;
	v3 =	vadd.f32 v21, v3  }
0x17c: {  	v9 =	vld [tilespmem:s29+$0xA000];
	v4 =	vadd.f32 v22, v4;
	v6 =	vadd.f32 v10, v6  }
0x17d: {  	v10 =	vld [tilespmem:s29+$0x6000];
	v5 =	vadd.f32 v11, v5;
	v3 =	vadd.f32 v23, v3  }
0x17e: {  	v11 =	vld [tilespmem:s29+$0xA400];
	v4 =	vadd.f32 v24, v4;
	v6 =	vadd.f32 v7, v6  }
0x17f: {  	v7 =	vld [tilespmem:s29+$0x6400];
	v5 =	vadd.f32 v60, v5;
	v3 =	vadd.f32 v25, v3  }
0x180: {  	v61 =	vld [tilespmem:s29+$0xA800];
	v4 =	vadd.f32 v26, v4;
	v6 =	vadd.f32 v8, v6  }
0x181: {  	v8 =	vld [tilespmem:s29+$0x6800];
	v5 =	vadd.f32 v9, v5;
	v3 =	vadd.f32 v27, v3  }
0x182: {  	v9 =	vld [tilespmem:s29+$0xAC00];
	v4 =	vadd.f32 v28, v4;
	v6 =	vadd.f32 v10, v6  }
0x183: {  	v10 =	vld [tilespmem:s29+$0x6C00];
	v5 =	vadd.f32 v11, v5;
	v3 =	vadd.f32 v29, v3  }
0x184: {  	v11 =	vld [tilespmem:s29+$0xB000];
	v4 =	vadd.f32 v30, v4;
	v6 =	vadd.f32 v7, v6  }
0x185: {  	s23 =	sadd.s32 $0x2, s23;
	v7 =	vld [tilespmem:s29+$0x7000];
	v5 =	vadd.f32 v61, v5;
	v3 =	vadd.f32 v31, v3  }
0x186: {  	v63 =	vld [tilespmem:s29+$0xB400];
	p0 =	slt.s32 s23, s19;
	v62 =	vadd.f32 v32, v4;
	v6 =	vadd.f32 v8, v6  }
.Ltmp10:
0x187: {  	v4 =	vld [tilespmem:s29+$0x7400];
	v5 =	vadd.f32 v9, v5;
	v8 =	vadd.f32 v33, v3;
	(pc) =	sbr.rel @!p0 .LBB2_12-.Ltmp10, $4  }
0x188: {  	s25 =	sadd.s32 $0xC010, s24;
	v9 =	vadd.f32 v34, v62;
	v3 =	vld [tilespmem:s29+$0xB800];
	v10 =	vadd.f32 v10, v6  }
0x189: {  	s26 =	sadd.s32 $0xC410, s24;
	v11 =	vadd.f32 v11, v5;
	v5 =	vld [tilespmem:s29+$0x7800];
	[tilespmem:s25+$0x0] =	vst v8  }
0x18a: {  	v6 =	vld [tilespmem:s29+$0xBC00];
	[tilespmem:s26+$0x0] =	vst v9;
	v9 =	vadd.f32 v7, v10  }
0x18b: {  	s24 =	sadd.s32 $0x20, s31;
	v8 =	vadd.f32 v63, v11;
	v7 =	vld [tilespmem:s29+$0x7C00]  }
.LBB2_11:
0x18c: {  	v10 =	vld [tilespmem:s24+$0xFFFFE000];
	v4 =	vadd.f32 v4, v9;
	s28 =	sadd.s32 $0x20, s28  }
0x18d: {  	s23 =	sadd.s32 $0x2, s23;
	v9 =	vld [tilespmem:s28+$0xFFFFE000];
	v3 =	vadd.f32 v3, v8  }
0x18e: {  	p0 =	slt.s32 s23, s19;
	v8 =	vld [tilespmem:s24+$0xFFFFE400];
	v4 =	vadd.f32 v5, v4  }
0x18f: {  	v5 =	vld [tilespmem:s28+$0xFFFFE400];
	v3 =	vadd.f32 v6, v3  }
0x190: {  	v6 =	vld [tilespmem:s24+$0xFFFFE800];
	v4 =	vadd.f32 v7, v4  }
0x191: {  	v7 =	vadd.f32 $0.0e+00, v10;
	v10 =	vld [tilespmem:s28+$0xFFFFE800]  }
0x192: {  	v9 =	vadd.f32 $0.0e+00, v9;
	v11 =	vld [tilespmem:s24+$0xFFFFEC00];
	[tilespmem:s25+$0xFFFFFFF0] =	vst v4  }
0x193: {  	v4 =	vadd.f32 v8, v7;
	v7 =	vld [tilespmem:s28+$0xFFFFEC00];
	[tilespmem:s26+$0xFFFFFFF0] =	vst v3  }
0x194: {  	v3 =	vadd.f32 v5, v9;
	v5 =	vld [tilespmem:s24+$0xFFFFF000]  }
0x195: {  	v4 =	vadd.f32 v6, v4;
	v6 =	vld [tilespmem:s28+$0xFFFFF000]  }
0x196: {  	v3 =	vadd.f32 v10, v3;
	v8 =	vld [tilespmem:s24+$0xFFFFF400]  }
0x197: {  	v4 =	vadd.f32 v11, v4;
	v9 =	vld [tilespmem:s28+$0xFFFFF400]  }
0x198: {  	v3 =	vadd.f32 v7, v3;
	v7 =	vld [tilespmem:s24+$0xFFFFF800]  }
0x199: {  	v4 =	vadd.f32 v5, v4;
	v5 =	vld [tilespmem:s28+$0xFFFFF800]  }
0x19a: {  	v3 =	vadd.f32 v6, v3;
	v6 =	vld [tilespmem:s24+$0xFFFFFC00]  }
0x19b: {  	v4 =	vadd.f32 v8, v4;
	v8 =	vld [tilespmem:s28+$0xFFFFFC00]  }
0x19c: {  	v3 =	vadd.f32 v9, v3;
	v9 =	vld [tilespmem:s24+$0x0]  }
0x19d: {  	v4 =	vadd.f32 v7, v4;
	v7 =	vld [tilespmem:s28+$0x0]  }
0x19e: {  	v3 =	vadd.f32 v5, v3;
	v5 =	vld [tilespmem:s24+$0x400]  }
0x19f: {  	v4 =	vadd.f32 v6, v4;
	v6 =	vld [tilespmem:s28+$0x400]  }
0x1a0: {  	v3 =	vadd.f32 v8, v3;
	v8 =	vld [tilespmem:s24+$0x800]  }
0x1a1: {  	v4 =	vadd.f32 v9, v4;
	v9 =	vld [tilespmem:s28+$0x800]  }
0x1a2: {  	v3 =	vadd.f32 v7, v3;
	v7 =	vld [tilespmem:s24+$0xC00]  }
0x1a3: {  	v4 =	vadd.f32 v5, v4;
	v5 =	vld [tilespmem:s28+$0xC00]  }
0x1a4: {  	v3 =	vadd.f32 v6, v3;
	v6 =	vld [tilespmem:s24+$0x1000]  }
0x1a5: {  	v4 =	vadd.f32 v8, v4;
	v8 =	vld [tilespmem:s28+$0x1000]  }
0x1a6: {  	v3 =	vadd.f32 v9, v3;
	v9 =	vld [tilespmem:s24+$0x1400]  }
0x1a7: {  	v4 =	vadd.f32 v7, v4;
	v7 =	vld [tilespmem:s28+$0x1400]  }
0x1a8: {  	v3 =	vadd.f32 v5, v3;
	v5 =	vld [tilespmem:s24+$0x1800]  }
0x1a9: {  	v4 =	vadd.f32 v6, v4;
	v6 =	vld [tilespmem:s28+$0x1800]  }
0x1aa: {  	v3 =	vadd.f32 v8, v3;
	v8 =	vld [tilespmem:s24+$0x1C00]  }
0x1ab: {  	v4 =	vadd.f32 v9, v4;
	v9 =	vld [tilespmem:s28+$0x1C00]  }
0x1ac: {  	s20 =	sadd.s32 $0x20, s20;
	v10 =	vld [tilespmem:s28+$0xFFFFDFF0];
	v3 =	vadd.f32 v7, v3  }
0x1ad: {  	s29 =	sand.u32 $0xFFFFFFF0, s20;
	v7 =	vld [tilespmem:s24+$0xFFFFDFF0];
	v4 =	vadd.f32 v5, v4  }
0x1ae: {  	v5 =	vld [tilespmem:s29+$0x8400];
	v3 =	vadd.f32 v6, v3  }
0x1af: {  	v6 =	vld [tilespmem:s29+$0x4400];
	v4 =	vadd.f32 v8, v4  }
0x1b0: {  	s25 =	sadd.s32 $0x20, s25;
	v8 =	vld [tilespmem:s29+$0x8800];
	v3 =	vadd.f32 v9, v3  }
0x1b1: {  	s26 =	sadd.s32 $0x20, s26;
	v9 =	vadd.f32 $0.0e+00, v10;
	v10 =	vld [tilespmem:s29+$0x4800];
	[tilespmem:s25+$0x0] =	vst v4  }
0x1b2: {  	v4 =	vadd.f32 $0.0e+00, v7;
	v7 =	vld [tilespmem:s29+$0x8C00];
	[tilespmem:s26+$0x0] =	vst v3  }
0x1b3: {  	v3 =	vadd.f32 v5, v9;
	v5 =	vld [tilespmem:s29+$0x4C00]  }
0x1b4: {  	v4 =	vadd.f32 v6, v4;
	v6 =	vld [tilespmem:s29+$0x9000]  }
0x1b5: {  	v3 =	vadd.f32 v8, v3;
	v8 =	vld [tilespmem:s29+$0x5000]  }
0x1b6: {  	v4 =	vadd.f32 v10, v4;
	v9 =	vld [tilespmem:s29+$0x9400]  }
0x1b7: {  	v3 =	vadd.f32 v7, v3;
	v7 =	vld [tilespmem:s29+$0x5400]  }
0x1b8: {  	v4 =	vadd.f32 v5, v4;
	v5 =	vld [tilespmem:s29+$0x9800]  }
0x1b9: {  	v3 =	vadd.f32 v6, v3;
	v6 =	vld [tilespmem:s29+$0x5800]  }
0x1ba: {  	v4 =	vadd.f32 v8, v4;
	v8 =	vld [tilespmem:s29+$0x9C00]  }
0x1bb: {  	v3 =	vadd.f32 v9, v3;
	v9 =	vld [tilespmem:s29+$0x5C00]  }
0x1bc: {  	v4 =	vadd.f32 v7, v4;
	v7 =	vld [tilespmem:s29+$0xA000]  }
0x1bd: {  	v3 =	vadd.f32 v5, v3;
	v5 =	vld [tilespmem:s29+$0x6000]  }
0x1be: {  	v4 =	vadd.f32 v6, v4;
	v6 =	vld [tilespmem:s29+$0xA400]  }
0x1bf: {  	v3 =	vadd.f32 v8, v3;
	v8 =	vld [tilespmem:s29+$0x6400]  }
0x1c0: {  	v4 =	vadd.f32 v9, v4;
	v9 =	vld [tilespmem:s29+$0xA800]  }
0x1c1: {  	v3 =	vadd.f32 v7, v3;
	v7 =	vld [tilespmem:s29+$0x6800]  }
0x1c2: {  	v4 =	vadd.f32 v5, v4;
	v5 =	vld [tilespmem:s29+$0xAC00]  }
0x1c3: {  	v3 =	vadd.f32 v6, v3;
	v6 =	vld [tilespmem:s29+$0x6C00]  }
0x1c4: {  	v4 =	vadd.f32 v8, v4;
	v8 =	vld [tilespmem:s29+$0xB000]  }
0x1c5: {  	v3 =	vadd.f32 v9, v3;
	v9 =	vld [tilespmem:s29+$0x7000]  }
0x1c6: {  	v7 =	vadd.f32 v7, v4;
	v10 =	vld [tilespmem:s29+$0xB400]  }
.Ltmp11:
0x1c7: {  	v5 =	vadd.f32 v5, v3;
	v4 =	vld [tilespmem:s29+$0x7400];
	(pc) =	sbr.rel @p0 .LBB2_11-.Ltmp11, $4  }
0x1c8: {  	v6 =	vadd.f32 v6, v7;
	v3 =	vld [tilespmem:s29+$0xB800]  }
0x1c9: {  	v7 =	vadd.f32 v8, v5;
	v5 =	vld [tilespmem:s29+$0x7800]  }
0x1ca: {  	v9 =	vadd.f32 v9, v6;
	v6 =	vld [tilespmem:s29+$0xBC00]  }
0x1cb: {  	s24 =	sadd.s32 $0x20, s24;
	v8 =	vadd.f32 v10, v7;
	v7 =	vld [tilespmem:s29+$0x7C00]  }
.LBB2_12:
0x1cc: {  	v4 =	vadd.f32 v4, v9;
	_ =	sdelay $0x1  }
0x1cd: {  	v4 =	vadd.f32 v5, v4  }
0x1ce: {  	v3 =	vadd.f32 v3, v8  }
0x1cf: {  	v4 =	vadd.f32 v7, v4  }
0x1d0: {  	v3 =	vadd.f32 v6, v3  }
0x1d1: {  	[tilespmem:s25+$0xFFFFFFF0] =	vst v4  }
0x1d2: {  	[tilespmem:s26+$0xFFFFFFF0] =	vst v3  }
.LBB2_13:
0x1d3: {  	p0 =	sgt.s32 s19, s17  }
.Ltmp12:
0x1d4: {  	_ = 	snop;
	(pc) =	sbr.rel @p0 .LBB2_16-.Ltmp12, $1  }
0x1d5: {  	_ =	sdelay $0x3  }
0x1d6: {  	s20 =	sshll.u32 s17, $0x6;
	s23 =	sshll.u32 s22, $0x6  }
0x1d7: {  	s20 =	ssub.s32 s20, s23  }
0x1d8: {  	s18 =	sadd.s32 s21, s18;
	s23 =	sshra.s32 s20, $0x2  }
0x1d9: {  	s19 =	sshll.u32 s19, $0x4;
	s18 =	ssub.s32 s18, s22;
	s20 =	sadd.s32 $0x4010, s23  }
0x1da: {  	s21 =	sadd.s32 $0x8010, s23;
	s22 =	sadd.s32 $0xC010, s23;
	s23 =	sadd.s32 $0xC410, s23  }
.LBB2_15:
0x1db: {  	v3 =	vld [tilespmem:s20+$0x0]  }
0x1dc: {  	v4 =	vld [tilespmem:s21+$0x0];
	s24 =	sand.u32 $0xFFFFFFF0, s19  }
0x1dd: {  	v5 =	vld [tilespmem:s24+$0x4400]  }
0x1de: {  	v6 =	vld [tilespmem:s24+$0x8400]  }
0x1df: {  	v7 =	vld [tilespmem:s24+$0x4800]  }
0x1e0: {  	v8 =	vld [tilespmem:s24+$0x8800];
	v3 =	vadd.f32 $0.0e+00, v3  }
0x1e1: {  	v9 =	vld [tilespmem:s24+$0x4C00];
	v4 =	vadd.f32 $0.0e+00, v4  }
0x1e2: {  	v39 =	vld [tilespmem:s24+$0x8C00];
	v3 =	vadd.f32 v5, v3  }
0x1e3: {  	v40 =	vld [tilespmem:s24+$0x5000];
	v4 =	vadd.f32 v6, v4  }
0x1e4: {  	v41 =	vld [tilespmem:s24+$0x9000];
	v3 =	vadd.f32 v7, v3  }
0x1e5: {  	v42 =	vld [tilespmem:s24+$0x5400];
	v4 =	vadd.f32 v8, v4  }
0x1e6: {  	v43 =	vld [tilespmem:s24+$0x9400];
	v3 =	vadd.f32 v9, v3  }
0x1e7: {  	v44 =	vld [tilespmem:s24+$0x5800];
	v4 =	vadd.f32 v39, v4  }
0x1e8: {  	v45 =	vld [tilespmem:s24+$0x9800];
	v3 =	vadd.f32 v40, v3  }
0x1e9: {  	v46 =	vld [tilespmem:s24+$0x5C00];
	v4 =	vadd.f32 v41, v4  }
0x1ea: {  	v47 =	vld [tilespmem:s24+$0x9C00];
	v3 =	vadd.f32 v42, v3  }
0x1eb: {  	v48 =	vld [tilespmem:s24+$0x6000];
	v4 =	vadd.f32 v43, v4  }
0x1ec: {  	v49 =	vld [tilespmem:s24+$0xA000];
	v3 =	vadd.f32 v44, v3  }
0x1ed: {  	v50 =	vld [tilespmem:s24+$0x6400];
	v4 =	vadd.f32 v45, v4  }
0x1ee: {  	v51 =	vld [tilespmem:s24+$0xA400];
	v3 =	vadd.f32 v46, v3  }
0x1ef: {  	v52 =	vld [tilespmem:s24+$0x6800];
	v4 =	vadd.f32 v47, v4  }
0x1f0: {  	v53 =	vld [tilespmem:s24+$0xA800];
	v3 =	vadd.f32 v48, v3  }
0x1f1: {  	v54 =	vld [tilespmem:s24+$0x6C00];
	v4 =	vadd.f32 v49, v4  }
0x1f2: {  	v55 =	vld [tilespmem:s24+$0xAC00];
	v3 =	vadd.f32 v50, v3  }
0x1f3: {  	v56 =	vld [tilespmem:s24+$0x7000];
	v4 =	vadd.f32 v51, v4  }
0x1f4: {  	v57 =	vld [tilespmem:s24+$0xB000];
	v3 =	vadd.f32 v52, v3  }
0x1f5: {  	v58 =	vld [tilespmem:s24+$0x7400];
	v4 =	vadd.f32 v53, v4  }
0x1f6: {  	v59 =	vld [tilespmem:s24+$0xB400];
	v3 =	vadd.f32 v54, v3  }
0x1f7: {  	v60 =	vld [tilespmem:s24+$0x7800];
	v4 =	vadd.f32 v55, v4  }
0x1f8: {  	v61 =	vld [tilespmem:s24+$0xB800];
	v3 =	vadd.f32 v56, v3  }
0x1f9: {  	v62 =	vld [tilespmem:s24+$0x7C00];
	v4 =	vadd.f32 v57, v4  }
0x1fa: {  	v63 =	vld [tilespmem:s24+$0xBC00];
	v3 =	vadd.f32 v58, v3  }
0x1fb: {  	s18 =	sadd.s32 $0x1, s18;
	v4 =	vadd.f32 v59, v4  }
0x1fc: {  	p0 =	slt.s32 s18, s17;
	v3 =	vadd.f32 v60, v3  }
.Ltmp13:
0x1fd: {  	v4 =	vadd.f32 v61, v4;
	(pc) =	sbr.rel @p0 .LBB2_15-.Ltmp13, $4  }
0x1fe: {  	v3 =	vadd.f32 v62, v3  }
0x1ff: {  	v4 =	vadd.f32 v63, v4  }
0x200: {  	s19 =	sadd.s32 $0x10, s19;
	s20 =	sadd.s32 $0x10, s20;
	[tilespmem:s22+$0x0] =	vst v3  }
0x201: {  	s21 =	sadd.s32 $0x10, s21;
	s22 =	sadd.s32 $0x10, s22;
	[tilespmem:s23+$0x0] =	vst v4;
	s23 =	sadd.s32 $0x10, s23  }
.Ltmp14:
0x202: {  	_ = 	snop;
	(pc) =	sbr.rel .LBB2_16-.Ltmp14, $1  }
0x203: {  	_ =	sdelay $0x3  }
.LBB2_17:
0x204: {  	_ =	sfence.sel $0x180000  }
0x205: {  	[bflag:$0x0] =	sbarrier.arrive $0xFFFF  }
0x206: {  	p0 =	sne.s32 s0, $0x0;
	_ =	strace $0x90000047  }
0x207: {  	s0 =	sadd.s32 @!p0 $0x100000, s1;
	[bflag:$0x2] =	sbarrier.arrive $0xFFFF  }
0x208: {  	[sflag:s0] =	ssyncadd.tile.s32 @!p0 $0x1;
	_ =	shalt  }
.Lfunc_end2:
_tile_overlayer_lowered:
.L_overlay_start_2:
0x209: {  	(tag) =	ssettag $0x2  }
0x20a: {  	s0 =	rddreg [dreg:$0x0];
	s2 =	stileid.u32  }
0x20b: {  	s1 =	rddreg [dreg:$0x1];
	p0 =	sne.s32 s2, $0x0  }
0x20c: {  	s3 =	rddreg [dreg:$0x2];
	[bflag:$0x3] =	sbarrier.arrive $0xFFFF;
	s2 =	simm.s32 @!p0 $0x1C01  }
0x20d: {  	[timem:s3], [sflag:s2] =	dma.local @!p0 [hbm:s0], s1  }
0x20e: {  	s0 =	simm.s32 @!p0 $0x1  }
0x20f: {  	_ =	swait.ge @!p0 [sflag:s0], s1  }
0x210: {  	s1 =	ssub.s32 @!p0 $0x0, s1;
	[sflag:s0] =	ssyncset.done @!p0 $0x0  }
0x211: {  	[sflag:s0] =	ssyncadd.s32 @!p0 s1  }
0x212: {  	[bflag:$0x3] =	sbarrier.arrive $0xFFFF  }
0x213: {  	_ =	shalt  }

</sc_bundles>
